<compile_context>
chip_gen: v7x
topology: tpu7x:2x2x1
jax: 0.10.2.dev20260603
libtpu: 0.0.44.dev20260713+nightly
codegen_flags: <defaults>
</compile_context>

<pallas_src>
import functools

import jax
import jax.numpy as jnp
from jax import lax
from jax.experimental import pallas as pl
from jax.experimental.pallas import tpu as pltpu
from jax.experimental.pallas import tpu_sc as plsc

IN_DIM = 128
FH = 64
ATTN = 32
N_NODE = 10000
N_EDGE = 320000
NQ = 10000

NC = 2
NS = 16
L = 16

EPW = N_EDGE // NS
C = 80
NCHUNK = 2 * (-(-EPW // (2 * C)))
COL_PAD = NS * EPW + 2 * C

TAB_ROWS = 10240
DT_OFF = 366
TT_ROWS = 10368
TW = FH + ATTN
ROWS_PER_TILE = 624



def _node_table_body(xh_ref, xf_ref, w_ref, out_ref):
    out_ref[:, :FH] = xh_ref[...]
    out_ref[:, FH:] = jnp.dot(xf_ref[...], w_ref[...],
                              preferred_element_type=jnp.float32,
                              precision=lax.Precision.HIGHEST)


def _build_node_table(xh, x, w):
    br = 512
    grid = TAB_ROWS // br
    return pl.pallas_call(
        _node_table_body,
        grid=(grid,),
        in_specs=[
            pl.BlockSpec((br, FH), lambda i: (i, 0)),
            pl.BlockSpec((br, IN_DIM), lambda i: (i, 0)),
            pl.BlockSpec((IN_DIM, ATTN), lambda i: (0, 0)),
        ],
        out_specs=pl.BlockSpec((br, TW), lambda i: (i, 0)),
        out_shape=jax.ShapeDtypeStruct((TAB_ROWS, TW), jnp.float32),
    )(xh, x, w)


def _rel_tables_body(xh_ref, xf_ref, wr_ref, wqr_ref, out_ref, outq_ref):
    xf = xf_ref[...]
    out_ref[:, :FH] = xh_ref[...]
    out_ref[:, FH:] = jnp.dot(xf, wr_ref[...], preferred_element_type=jnp.float32,
                              precision=lax.Precision.HIGHEST)
    outq_ref[...] = jnp.dot(xf, wqr_ref[...], preferred_element_type=jnp.float32,
                              precision=lax.Precision.HIGHEST)


def _build_rel_tables(xh, x, wr, wqr):
    br = 512
    grid = TAB_ROWS // br
    return pl.pallas_call(
        _rel_tables_body,
        grid=(grid,),
        in_specs=[
            pl.BlockSpec((br, FH), lambda i: (i, 0)),
            pl.BlockSpec((br, IN_DIM), lambda i: (i, 0)),
            pl.BlockSpec((IN_DIM, ATTN), lambda i: (0, 0)),
            pl.BlockSpec((IN_DIM, ATTN), lambda i: (0, 0)),
        ],
        out_specs=[
            pl.BlockSpec((br, TW), lambda i: (i, 0)),
            pl.BlockSpec((br, ATTN), lambda i: (i, 0)),
        ],
        out_shape=[
            jax.ShapeDtypeStruct((TAB_ROWS, TW), jnp.float32),
            jax.ShapeDtypeStruct((TAB_ROWS, ATTN), jnp.float32),
        ],
    )(xh, x, wr, wqr)


def _tau_table_body(wt1h_ref, bt1h_ref, wt2h_ref, bt2h_ref,
                    wt1f_ref, bt1f_ref, wt2f_ref, bt2f_ref,
                    wtau_ref, wqrb_ref, out_ref, *, br):
    i = pl.program_id(0)
    d = (lax.broadcasted_iota(jnp.int32, (br, 1), 0)
         + (i * br - DT_OFF)).astype(jnp.float32)
    hh = wt1h_ref[...] * d + bt1h_ref[...] + jnp.sin(wt2h_ref[...] * d + bt2h_ref[...])
    hf = wt1f_ref[...] * d + bt1f_ref[...] + jnp.sin(wt2f_ref[...] * d + bt2f_ref[...])
    out_ref[:, :FH] = hh
    out_ref[:, FH:] = (jnp.dot(hf, wtau_ref[...], preferred_element_type=jnp.float32,
                              precision=lax.Precision.HIGHEST)
                       + wqrb_ref[...])


def _build_tau_table(wt1h, bt1h, wt2h, bt2h, wt1, bt1, wt2, bt2, wtau, wqrb):
    br = 1296
    grid = TT_ROWS // br
    half = pl.BlockSpec((1, FH), lambda i: (0, 0))
    full = pl.BlockSpec((1, IN_DIM), lambda i: (0, 0))
    return pl.pallas_call(
        functools.partial(_tau_table_body, br=br),
        grid=(grid,),
        in_specs=[half, half, half, half, full, full, full, full,
                  pl.BlockSpec((IN_DIM, ATTN), lambda i: (0, 0)),
                  pl.BlockSpec((1, ATTN), lambda i: (0, 0))],
        out_specs=pl.BlockSpec((br, TW), lambda i: (i, 0)),
        out_shape=jax.ShapeDtypeStruct((TT_ROWS, TW), jnp.float32),
    )(wt1h, bt1h, wt2h, bt2h, wt1, bt1, wt2, bt2, wtau, wqrb)


def _final_body(p0_ref, p1_ref, wh0_ref, wh1_ref, out_ref):
    out_ref[...] = (jnp.dot(p0_ref[...], wh0_ref[...], preferred_element_type=jnp.float32,
                              precision=lax.Precision.HIGHEST)
                    + jnp.dot(p1_ref[...], wh1_ref[...], preferred_element_type=jnp.float32,
                              precision=lax.Precision.HIGHEST))


def _final_matmul(p0, p1, wh):
    br = 1000
    grid = N_NODE // br
    return pl.pallas_call(
        _final_body,
        grid=(grid,),
        in_specs=[
            pl.BlockSpec((br, FH), lambda i: (i, 0)),
            pl.BlockSpec((br, FH), lambda i: (i, 0)),
            pl.BlockSpec((FH, IN_DIM), lambda i: (0, 0)),
            pl.BlockSpec((FH, IN_DIM), lambda i: (1, 0)),
        ],
        out_specs=pl.BlockSpec((br, IN_DIM), lambda i: (i, 0)),
        out_shape=jax.ShapeDtypeStruct((N_NODE, IN_DIM), jnp.float32),
    )(p0, p1, wh, wh)



def _edge_body(qrel_h, qtau_h, scal_h, ridx_h, rel_h, tau_h, sub_h, obj_h,
               tnode_h, trel_h, ttau_h, tq_h, out_h,
               qrel_v, qtau_v, scal_v,
               ridx0, rel0, tau0, sub0, obj0, qri0, dti0,
               bufn0, bufr0, buft0, bufq0,
               ridx1, rel1, tau1, sub1, obj1, qri1, dti1,
               bufn1, bufr1, buft1, bufq1,
               msg, agg, sem0, sem1):
    cid = lax.axis_index("c")
    sid = lax.axis_index("s")

    pltpu.sync_copy(qrel_h, qrel_v)
    pltpu.sync_copy(qtau_h, qtau_v)
    pltpu.sync_copy(scal_h, scal_v)

    def _zrow(i, c):
        for j in range(FH // L):
            msg[i, pl.ds(j * L, L)] = jnp.zeros((L,), jnp.float32)
        return c
    lax.fori_loop(0, C, _zrow, 0)

    row0 = sid * ROWS_PER_TILE
    for k in range(ROWS_PER_TILE // C):
        pltpu.sync_copy(msg.at[pl.ds(0, C)], agg.at[pl.ds(row0 + k * C, C)])
    _rem = ROWS_PER_TILE % C
    if _rem:
        pltpu.sync_copy(msg.at[pl.ds(0, _rem)],
                        agg.at[pl.ds(row0 + (ROWS_PER_TILE // C) * C, _rem)])

    @pl.when(sid == NS - 1)
    def _zero_tail():
        pltpu.sync_copy(msg.at[pl.ds(0, 16)], agg.at[pl.ds(NS * ROWS_PER_TILE, 16)])
    plsc.subcore_barrier()

    w0 = scal_v[pl.ds(0, L)]
    w1 = scal_v[pl.ds(L, L)]
    bal = scal_v[pl.ds(2 * L, L)][0]
    lane = lax.iota(jnp.int32, L)

    ebase = sid * EPW
    noff = cid * TAB_ROWS
    toff = cid * TT_ROWS

    sets = (
        (ridx0, rel0, tau0, sub0, obj0, qri0, dti0, bufn0, bufr0, buft0, bufq0, sem0),
        (ridx1, rel1, tau1, sub1, obj1, qri1, dti1, bufn1, bufr1, buft1, bufq1, sem1),
    )

    def prep(ch, st):
        ridx_v, rel_v, tau_v, sub_v, obj_v, qri_v, dti_v, bufn, bufr, buft, bufq, sem = st
        base = pl.multiple_of(ebase + ch * C, 8)
        pltpu.sync_copy(ridx_h.at[pl.ds(base, C)], ridx_v)
        pltpu.sync_copy(rel_h.at[pl.ds(base, C)], rel_v)
        pltpu.sync_copy(tau_h.at[pl.ds(base, C)], tau_v)
        pltpu.sync_copy(sub_h.at[pl.ds(base, C)], sub_v)
        pltpu.sync_copy(obj_h.at[pl.ds(base, C)], obj_v)

        def idx16(j, c):
            off = j * L
            qi = ridx_v[pl.ds(off, L)]
            qr = plsc.load_gather(qrel_v, [qi])
            tq = plsc.load_gather(qtau_v, [qi])
            tau = tau_v[pl.ds(off, L)]
            tau2 = jnp.where(tau >= 0, tau, tq)
            dti = jnp.clip(tau2 - tq + DT_OFF, 0, TT_ROWS - 1)
            obj = jnp.clip(obj_v[pl.ds(off, L)], 0, N_NODE - 1)
            sub_v[pl.ds(off, L)] = sub_v[pl.ds(off, L)] + noff
            rel_v[pl.ds(off, L)] = rel_v[pl.ds(off, L)] + noff
            qri_v[pl.ds(off, L)] = qr
            dti_v[pl.ds(off, L)] = dti + toff
            obj_v[pl.ds(off, L)] = obj
            return c
        lax.fori_loop(0, C // L, idx16, 0)

        pltpu.async_copy(tnode_h.at[sub_v], bufn, sem)
        pltpu.async_copy(trel_h.at[rel_v], bufr, sem)
        pltpu.async_copy(ttau_h.at[dti_v], buft, sem)
        pltpu.async_copy(tq_h.at[qri_v], bufq, sem)

    def drain(st):
        ridx_v, rel_v, tau_v, sub_v, obj_v, qri_v, dti_v, bufn, bufr, buft, bufq, sem = st
        pltpu.make_async_copy(tnode_h.at[sub_v], bufn, sem).wait()
        pltpu.make_async_copy(trel_h.at[rel_v], bufr, sem).wait()
        pltpu.make_async_copy(ttau_h.at[dti_v], buft, sem).wait()
        pltpu.make_async_copy(tq_h.at[qri_v], bufq, sem).wait()

    perms = [jnp.bitwise_xor(lane, sh) for sh in (8, 4, 2, 1)]

    def lsum(v):
        for p in perms:
            v = v + v.at[p].get(mode="promise_in_bounds")
        return v

    def compute(ch, st):
        ridx_v, rel_v, tau_v, sub_v, obj_v, qri_v, dti_v, bufn, bufr, buft, bufq, sem = st

        del ridx_v, rel_v, tau_v, sub_v, obj_v, qri_v, dti_v, bufn, bufr, buft, bufq, sem, ch

    prep(0, sets[0])

    def pair(chp, carry):
        ch0 = chp * 2
        drain(sets[0])
        prep(ch0 + 1, sets[1])
        compute(ch0, sets[0])
        drain(sets[1])

        @pl.when(ch0 + 2 < NCHUNK)
        def _prep_next():
            prep(ch0 + 2, sets[0])
        compute(ch0 + 1, sets[1])
        return carry

    lax.fori_loop(0, NCHUNK // 2, pair, 0)

    plsc.subcore_barrier()
    for k in range(4):
        sl = pl.ds(row0 + k * 128, 128)
        pltpu.sync_copy(agg.at[sl], out_h.at[cid, sl])
    sl = pl.ds(row0 + 512, 112)
    pltpu.sync_copy(agg.at[sl], out_h.at[cid, sl])

    @pl.when(sid == NS - 1)
    def _copy_tail():
        slt = pl.ds(NS * ROWS_PER_TILE, 16)
        pltpu.sync_copy(agg.at[slt], out_h.at[cid, slt])


def _edge_aggregate(qrel, qtau, scal, ridx, rel, tau, sub, obj,
                    tnode, trel, ttau, tq):
    mesh = plsc.VectorSubcoreMesh(core_axis_name="c", subcore_axis_name="s",
                                  num_cores=NC, num_subcores=NS)
    colset = [pltpu.VMEM((C,), jnp.int32) for _ in range(7)]
    bufset = [pltpu.VMEM((C, TW), jnp.float32) for _ in range(3)] + [
        pltpu.VMEM((C, ATTN), jnp.float32)]
    f = pl.kernel(
        _edge_body,
        out_type=jax.ShapeDtypeStruct((NC, N_NODE, FH), jnp.float32),
        mesh=mesh,
        compiler_params=pltpu.CompilerParams(needs_layout_passes=False,
                                             use_tc_tiling_on_sc=False),
        scratch_types=(
            [pltpu.VMEM((NQ,), jnp.int32),
             pltpu.VMEM((NQ,), jnp.int32),
             pltpu.VMEM((3 * L,), jnp.float32)]
            + colset + bufset
            + [pltpu.VMEM((C,), jnp.int32) for _ in range(7)]
            + [pltpu.VMEM((C, TW), jnp.float32) for _ in range(3)]
            + [pltpu.VMEM((C, ATTN), jnp.float32)]
            + [pltpu.VMEM((C, FH), jnp.float32),
               pltpu.VMEM_SHARED((N_NODE, FH), jnp.float32),
               pltpu.SemaphoreType.DMA,
               pltpu.SemaphoreType.DMA]
        ),
    )
    return f(qrel, qtau, scal, ridx, rel, tau, sub, obj, tnode, trel, ttau, tq)



def kernel(q_sub, q_rel, q_tau, hidden, edges, n_node, old_nodes_new_idx,
           rela_embed, Ws_attn, Wr_attn, Wqr_attn_w, Wqr_attn_b, Wtau_attn,
           w_alpha_w, w_alpha_b, W_h, weight_t1, bias_t1, weight_t2, bias_t2):
    del q_sub, n_node, old_nodes_new_idx

    hidden_p = jnp.zeros((TAB_ROWS, IN_DIM), jnp.float32).at[:N_NODE].set(hidden)
    rela_p = jnp.zeros((TAB_ROWS, IN_DIM), jnp.float32).at[:rela_embed.shape[0]].set(rela_embed)

    ecols = edges.astype(jnp.int32)
    pad = COL_PAD - N_EDGE
    ridx_c = jnp.pad(ecols[:, 0], (0, pad))
    rel_c = jnp.pad(ecols[:, 2], (0, pad))
    tau_c = jnp.pad(ecols[:, 4], (0, pad))
    sub_c = jnp.pad(ecols[:, 5], (0, pad))
    obj_c = jnp.pad(ecols[:, 6], (0, pad))

    scal = jnp.concatenate([
        w_alpha_w.reshape(-1).astype(jnp.float32),
        w_alpha_b.reshape(-1).astype(jnp.float32),
        jnp.zeros((3 * L - ATTN - 1,), jnp.float32),
    ])

    wqrb = Wqr_attn_b.reshape(1, ATTN)
    tnode_halves, trel_halves, ttau_halves = [], [], []
    tq = None
    for h in range(NC):
        csl = slice(h * FH, (h + 1) * FH)
        tnode_halves.append(_build_node_table(hidden_p[:, csl], hidden_p, Ws_attn))
        trel_h, tq_h = _build_rel_tables(rela_p[:, csl], rela_p, Wr_attn, Wqr_attn_w)
        trel_halves.append(trel_h)
        tq = tq_h if tq is None else tq
        ttau_halves.append(_build_tau_table(
            weight_t1[:, csl], bias_t1[:, csl], weight_t2[:, csl], bias_t2[:, csl],
            weight_t1, bias_t1, weight_t2, bias_t2, Wtau_attn, wqrb))
    tnode = jnp.concatenate(tnode_halves, axis=0)
    trel = jnp.concatenate(trel_halves, axis=0)
    ttau = jnp.concatenate(ttau_halves, axis=0)

    partials = _edge_aggregate(q_rel.astype(jnp.int32), q_tau.astype(jnp.int32),
                               scal, ridx_c, rel_c, tau_c, sub_c, obj_c,
                               tnode, trel, ttau, tq)

    return _final_matmul(partials[0], partials[1], W_h)

# --- scband reference (transcript-rebuilt; emitter-appended) ---
"""Pipeline reference for scband-gnnlayer-79053168050534 (READ-ONLY COPY).

The authoritative reference and input builder live on the scoring server;
editing this copy changes nothing except your own understanding.
"""

import jax, jax.numpy as jnp
import numpy as np

IN_DIM = 128
OUT_DIM = 128
ATTN_DIM = 32
N_REL = 5000
N_NODE = 10000
N_EDGE = 320000
B = 10000


def setup_inputs(seed: int = 0) -> dict:
    key = jax.random.key(seed)
    ks = jax.random.split(key, 20)
    s = 0.05
    inp = {}
    # forward args
    inp["q_sub"] = jax.random.randint(ks[0], (B,), 0, N_NODE)
    inp["q_rel"] = jax.random.randint(ks[1], (B,), 0, 2 * N_REL + 1)
    inp["q_tau"] = jax.random.randint(ks[2], (B,), 0, 366)
    inp["hidden"] = jax.random.normal(ks[3], (N_NODE, IN_DIM), dtype=jnp.float32)
    inp["edges"] = jax.random.randint(ks[4], (N_EDGE, 7), 0, N_NODE)
    inp["n_node"] = N_NODE
    inp["old_nodes_new_idx"] = jax.random.randint(ks[5], (5000,), 0, N_NODE)
    # learned parameters (torch nn.Linear stored as y = x @ W here, math-equivalent)
    inp["rela_embed"] = jax.random.normal(ks[6], (2 * N_REL + 1, IN_DIM), dtype=jnp.float32) * s
    inp["Ws_attn"] = jax.random.normal(ks[7], (IN_DIM, ATTN_DIM), dtype=jnp.float32) * s
    inp["Wr_attn"] = jax.random.normal(ks[8], (IN_DIM, ATTN_DIM), dtype=jnp.float32) * s
    inp["Wqr_attn_w"] = jax.random.normal(ks[9], (IN_DIM, ATTN_DIM), dtype=jnp.float32) * s
    inp["Wqr_attn_b"] = jax.random.normal(ks[10], (ATTN_DIM,), dtype=jnp.float32) * s
    inp["Wtau_attn"] = jax.random.normal(ks[11], (IN_DIM, ATTN_DIM), dtype=jnp.float32) * s
    inp["w_alpha_w"] = jax.random.normal(ks[12], (ATTN_DIM, 1), dtype=jnp.float32) * s
    inp["w_alpha_b"] = jax.random.normal(ks[13], (1,), dtype=jnp.float32) * s
    inp["W_h"] = jax.random.normal(ks[14], (IN_DIM, OUT_DIM), dtype=jnp.float32) * s
    inp["weight_t1"] = jax.random.normal(ks[15], (1, IN_DIM), dtype=jnp.float32) * s
    inp["bias_t1"] = jax.random.normal(ks[16], (1, IN_DIM), dtype=jnp.float32) * s
    inp["weight_t2"] = jax.random.normal(ks[17], (1, IN_DIM), dtype=jnp.float32) * s
    inp["bias_t2"] = jax.random.normal(ks[18], (1, IN_DIM), dtype=jnp.float32) * s
    return inp


def reference(q_sub, q_rel, q_tau, hidden, edges, n_node, old_nodes_new_idx,
              rela_embed, Ws_attn, Wr_attn, Wqr_attn_w, Wqr_attn_b, Wtau_attn,
              w_alpha_w, w_alpha_b, W_h, weight_t1, bias_t1, weight_t2, bias_t2):
    sub = edges[:, 5]
    rel = edges[:, 2]
    obj = edges[:, 6]
    tau = edges[:, 4]
    hs = hidden[sub]                         # gather [E, in_dim]
    hr = rela_embed[rel]                     # embedding gather [E, in_dim]
    r_idx = edges[:, 0]
    h_qr = rela_embed[q_rel][r_idx]          # [E, in_dim]
    taus_q = q_tau[r_idx]
    tau = jnp.where(tau >= 0, tau, taus_q)
    delta_tau = (tau - taus_q).astype(jnp.float32)
    h_tau1 = weight_t1 * delta_tau[:, None] + bias_t1
    h_tau2 = jnp.sin(weight_t2 * delta_tau[:, None] + bias_t2)
    h_hau = h_tau1 + h_tau2
    message = hs + hr + h_hau
    pre = jax.nn.relu(hs @ Ws_attn + hr @ Wr_attn + (h_qr @ Wqr_attn_w + Wqr_attn_b) + h_hau @ Wtau_attn)
    alpha = jax.nn.sigmoid(pre @ w_alpha_w + w_alpha_b)  # [E, 1]
    message = alpha * message
    num_segments = hidden.shape[0]
    obj = jnp.clip(obj, 0, n_node - 1)
    message_agg = jax.ops.segment_sum(message, obj, num_segments=num_segments)  # scatter-add
    hidden_new = message_agg @ W_h           # act is identity (default lambda x: x)
    return hidden_new

if __name__ == "__main__":
    import jax
    _d = setup_inputs()
    print(jax.jit(kernel)(*tuple(_d.values())))

</pallas_src>

<mosaic_0001>
#map = affine_map<(d0, d1) -> (0)>
#map1 = affine_map<(d0, d1) -> (0, 0)>
#map2 = affine_map<(d0, d1) -> (0, 0, 0)>
module attributes {stable_mosaic.version = 14 : i64} {
  func.func @_edge_body(%arg0: i32, %arg1: i32, %arg2: memref<10000xi32, #tpu.memory_space<hbm>>, %arg3: memref<10000xi32, #tpu.memory_space<hbm>>, %arg4: memref<48xf32, #tpu.memory_space<hbm>>, %arg5: memref<320160xi32, #tpu.memory_space<hbm>>, %arg6: memref<320160xi32, #tpu.memory_space<hbm>>, %arg7: memref<320160xi32, #tpu.memory_space<hbm>>, %arg8: memref<320160xi32, #tpu.memory_space<hbm>>, %arg9: memref<320160xi32, #tpu.memory_space<hbm>>, %arg10: memref<20480x96xf32, #tpu.memory_space<hbm>>, %arg11: memref<20480x96xf32, #tpu.memory_space<hbm>>, %arg12: memref<20736x96xf32, #tpu.memory_space<hbm>>, %arg13: memref<10240x32xf32, #tpu.memory_space<hbm>>, %arg14: memref<2x10000x64xf32, #tpu.memory_space<hbm>>, %arg15: memref<10000xi32, #tpu.memory_space<vmem>>, %arg16: memref<10000xi32, #tpu.memory_space<vmem>>, %arg17: memref<48xf32, #tpu.memory_space<vmem>>, %arg18: memref<80xi32, #tpu.memory_space<vmem>>, %arg19: memref<80xi32, #tpu.memory_space<vmem>>, %arg20: memref<80xi32, #tpu.memory_space<vmem>>, %arg21: memref<80xi32, #tpu.memory_space<vmem>>, %arg22: memref<80xi32, #tpu.memory_space<vmem>>, %arg23: memref<80xi32, #tpu.memory_space<vmem>>, %arg24: memref<80xi32, #tpu.memory_space<vmem>>, %arg25: memref<80x96xf32, #tpu.memory_space<vmem>>, %arg26: memref<80x96xf32, #tpu.memory_space<vmem>>, %arg27: memref<80x96xf32, #tpu.memory_space<vmem>>, %arg28: memref<80x32xf32, #tpu.memory_space<vmem>>, %arg29: memref<80xi32, #tpu.memory_space<vmem>>, %arg30: memref<80xi32, #tpu.memory_space<vmem>>, %arg31: memref<80xi32, #tpu.memory_space<vmem>>, %arg32: memref<80xi32, #tpu.memory_space<vmem>>, %arg33: memref<80xi32, #tpu.memory_space<vmem>>, %arg34: memref<80xi32, #tpu.memory_space<vmem>>, %arg35: memref<80xi32, #tpu.memory_space<vmem>>, %arg36: memref<80x96xf32, #tpu.memory_space<vmem>>, %arg37: memref<80x96xf32, #tpu.memory_space<vmem>>, %arg38: memref<80x96xf32, #tpu.memory_space<vmem>>, %arg39: memref<80x32xf32, #tpu.memory_space<vmem>>, %arg40: memref<80x64xf32, #tpu.memory_space<vmem>>, %arg41: memref<10000x64xf32, #tpu.memory_space<vmem_shared>>, %arg42: memref<!tpu.dma_semaphore, #tpu.memory_space<semaphore_mem>>, %arg43: memref<!tpu.dma_semaphore, #tpu.memory_space<semaphore_mem>>) attributes {dimension_semantics = [#tpu.dimension_semantics<core_parallel>, #tpu.dimension_semantics<subcore_parallel>], iteration_bounds = array<i64: 2, 16>, scalar_prefetch = 0 : i64, scratch_operands = 29 : i64, tpu.core_type = #tpu.core_type<sc_vector_subcore>, window_params = [{transform_indices = #map}, {transform_indices = #map}, {transform_indices = #map}, {transform_indices = #map}, {transform_indices = #map}, {transform_indices = #map}, {transform_indices = #map}, {transform_indices = #map}, {transform_indices = #map1}, {transform_indices = #map1}, {transform_indices = #map1}, {transform_indices = #map1}, {transform_indices = #map2}]} {
    "tpu.region"() ({
      %run_scoped3A = tpu.sem_alloc : memref<!tpu.dma_semaphore, #tpu.memory_space<semaphore_mem>>
      tpu.enqueue_dma source(%arg2 : memref<10000xi32, #tpu.memory_space<hbm>>) target(%arg15 : memref<10000xi32, #tpu.memory_space<vmem>>) target_semaphore(%run_scoped3A : memref<!tpu.dma_semaphore, #tpu.memory_space<semaphore_mem>>)
      tpu.wait_dma2 semaphore(%run_scoped3A : memref<!tpu.dma_semaphore, #tpu.memory_space<semaphore_mem>>) src(%arg2 : memref<10000xi32, #tpu.memory_space<hbm>>) dst(%arg15 : memref<10000xi32, #tpu.memory_space<vmem>>)
      tpu.yield
    }) : () -> ()
    "tpu.region"() ({
      %run_scoped3A = tpu.sem_alloc : memref<!tpu.dma_semaphore, #tpu.memory_space<semaphore_mem>>
      tpu.enqueue_dma source(%arg3 : memref<10000xi32, #tpu.memory_space<hbm>>) target(%arg16 : memref<10000xi32, #tpu.memory_space<vmem>>) target_semaphore(%run_scoped3A : memref<!tpu.dma_semaphore, #tpu.memory_space<semaphore_mem>>)
      tpu.wait_dma2 semaphore(%run_scoped3A : memref<!tpu.dma_semaphore, #tpu.memory_space<semaphore_mem>>) src(%arg3 : memref<10000xi32, #tpu.memory_space<hbm>>) dst(%arg16 : memref<10000xi32, #tpu.memory_space<vmem>>)
      tpu.yield
    }) : () -> ()
    "tpu.region"() ({
      %run_scoped3A = tpu.sem_alloc : memref<!tpu.dma_semaphore, #tpu.memory_space<semaphore_mem>>
      tpu.enqueue_dma source(%arg4 : memref<48xf32, #tpu.memory_space<hbm>>) target(%arg17 : memref<48xf32, #tpu.memory_space<vmem>>) target_semaphore(%run_scoped3A : memref<!tpu.dma_semaphore, #tpu.memory_space<semaphore_mem>>)
      tpu.wait_dma2 semaphore(%run_scoped3A : memref<!tpu.dma_semaphore, #tpu.memory_space<semaphore_mem>>) src(%arg4 : memref<48xf32, #tpu.memory_space<hbm>>) dst(%arg17 : memref<48xf32, #tpu.memory_space<vmem>>)
      tpu.yield
    }) : () -> ()
    %scan3A = arith.constant 0 : i32
    %scan3A_0 = arith.constant 0 : i32
    %scan3A_1 = arith.constant 80 : i32
    %scan3A_2 = arith.addi %scan3A_0, %scan3A_1 : i32
    %scan3A_3 = arith.constant 1 : i32
    scf.for %scan3A_86 = %scan3A_0 to %scan3A_2 step %scan3A_3  : i32 {
      %broadcast_in_dim3A = arith.constant 0.000000e+00 : f32
      %broadcast_in_dim3A_87 = vector.broadcast %broadcast_in_dim3A : f32 to vector<16xf32>
      %swap3A = arith.index_cast %scan3A_86 : i32 to index
      %swap3A_88 = arith.constant 0 : index
      %swap3A_89 = tpu.vector_load %arg40[%swap3A, %swap3A_88] {strides = array<i32>} : memref<80x64xf32, #tpu.memory_space<vmem>>, vector<16xf32>,
      tpu.vector_store %arg40[%swap3A, %swap3A_88], %broadcast_in_dim3A_87 {strides = array<i32>} : memref<80x64xf32, #tpu.memory_space<vmem>>, vector<16xf32>,
      %broadcast_in_dim3A_90 = arith.constant 0.000000e+00 : f32
      %broadcast_in_dim3A_91 = vector.broadcast %broadcast_in_dim3A_90 : f32 to vector<16xf32>
      %swap3A_92 = arith.index_cast %scan3A_86 : i32 to index
      %swap3A_93 = arith.constant 16 : index
      %swap3A_94 = tpu.vector_load %arg40[%swap3A_92, %swap3A_93] {strides = array<i32>} : memref<80x64xf32, #tpu.memory_space<vmem>>, vector<16xf32>,
      tpu.vector_store %arg40[%swap3A_92, %swap3A_93], %broadcast_in_dim3A_91 {strides = array<i32>} : memref<80x64xf32, #tpu.memory_space<vmem>>, vector<16xf32>,
      %broadcast_in_dim3A_95 = arith.constant 0.000000e+00 : f32
      %broadcast_in_dim3A_96 = vector.broadcast %broadcast_in_dim3A_95 : f32 to vector<16xf32>
      %swap3A_97 = arith.index_cast %scan3A_86 : i32 to index
      %swap3A_98 = arith.constant 32 : index
      %swap3A_99 = tpu.vector_load %arg40[%swap3A_97, %swap3A_98] {strides = array<i32>} : memref<80x64xf32, #tpu.memory_space<vmem>>, vector<16xf32>,
      tpu.vector_store %arg40[%swap3A_97, %swap3A_98], %broadcast_in_dim3A_96 {strides = array<i32>} : memref<80x64xf32, #tpu.memory_space<vmem>>, vector<16xf32>,
      %broadcast_in_dim3A_100 = arith.constant 0.000000e+00 : f32
      %broadcast_in_dim3A_101 = vector.broadcast %broadcast_in_dim3A_100 : f32 to vector<16xf32>
      %swap3A_102 = arith.index_cast %scan3A_86 : i32 to index
      %swap3A_103 = arith.constant 48 : index
      %swap3A_104 = tpu.vector_load %arg40[%swap3A_102, %swap3A_103] {strides = array<i32>} : memref<80x64xf32, #tpu.memory_space<vmem>>, vector<16xf32>,
      tpu.vector_store %arg40[%swap3A_102, %swap3A_103], %broadcast_in_dim3A_101 {strides = array<i32>} : memref<80x64xf32, #tpu.memory_space<vmem>>, vector<16xf32>,
    }
    %scan3A_4 = arith.constant 80 : i32
    %mul3A = arith.constant 624 : i32
    %mul3A_5 = arith.muli %arg1, %mul3A : i32
    %add3A = arith.constant 0 : i32
    %add3A_6 = arith.addi %mul3A_5, %add3A : i32
    "tpu.region"() ({
      %run_scoped3A = tpu.sem_alloc : memref<!tpu.dma_semaphore, #tpu.memory_space<semaphore_mem>>
      %dma_start3A_86 = arith.constant 0 : i32
      %dma_start3A_87 = arith.constant 0 : i32
      %dma_start3A_88 = tpu.memref_slice %arg40[%dma_start3A_86, %dma_start3A_87] : memref<80x64xf32, #tpu.memory_space<vmem>> -> memref<80x64xf32, #tpu.memory_space<vmem>>
      %dma_start3A_89 = arith.constant 0 : i32
      %dma_start3A_90 = tpu.memref_slice %arg41[%add3A_6, %dma_start3A_89] : memref<10000x64xf32, #tpu.memory_space<vmem_shared>> -> memref<80x64xf32, #tpu.memory_space<vmem_shared>>
      %dma_start3A_91 = arith.constant 0 : i32
      %dma_start3A_92 = tpu.memref_slice %arg41[%add3A_6, %dma_start3A_91] : memref<10000x64xf32, #tpu.memory_space<vmem_shared>> -> memref<80x64xf32, #tpu.memory_space<vmem_shared>>
      %dma_start3A_93 = arith.constant 0 : i32
      %dma_start3A_94 = arith.constant 0 : i32
      %dma_start3A_95 = tpu.memref_slice %arg40[%dma_start3A_93, %dma_start3A_94] : memref<80x64xf32, #tpu.memory_space<vmem>> -> memref<80x64xf32, #tpu.memory_space<vmem>>
      tpu.enqueue_dma source(%dma_start3A_95 : memref<80x64xf32, #tpu.memory_space<vmem>>) target(%dma_start3A_92 : memref<80x64xf32, #tpu.memory_space<vmem_shared>>) target_semaphore(%run_scoped3A : memref<!tpu.dma_semaphore, #tpu.memory_space<semaphore_mem>>)
      %dma_wait3A = arith.constant 0 : i32
      %dma_wait3A_96 = arith.constant 0 : i32
      %dma_wait3A_97 = tpu.memref_slice %arg40[%dma_wait3A, %dma_wait3A_96] : memref<80x64xf32, #tpu.memory_space<vmem>> -> memref<80x64xf32, #tpu.memory_space<vmem>>
      %dma_wait3A_98 = arith.constant 0 : i32
      %dma_wait3A_99 = tpu.memref_slice %arg41[%add3A_6, %dma_wait3A_98] : memref<10000x64xf32, #tpu.memory_space<vmem_shared>> -> memref<80x64xf32, #tpu.memory_space<vmem_shared>>
      %dma_wait3A_100 = arith.constant 0 : i32
      %dma_wait3A_101 = tpu.memref_slice %arg41[%add3A_6, %dma_wait3A_100] : memref<10000x64xf32, #tpu.memory_space<vmem_shared>> -> memref<80x64xf32, #tpu.memory_space<vmem_shared>>
      %dma_wait3A_102 = arith.constant 0 : i32
      %dma_wait3A_103 = arith.constant 0 : i32
      %dma_wait3A_104 = tpu.memref_slice %arg40[%dma_wait3A_102, %dma_wait3A_103] : memref<80x64xf32, #tpu.memory_space<vmem>> -> memref<80x64xf32, #tpu.memory_space<vmem>>
      tpu.wait_dma2 semaphore(%run_scoped3A : memref<!tpu.dma_semaphore, #tpu.memory_space<semaphore_mem>>) src(%dma_wait3A_104 : memref<80x64xf32, #tpu.memory_space<vmem>>) dst(%dma_wait3A_101 : memref<80x64xf32, #tpu.memory_space<vmem_shared>>)
      tpu.yield
    }) : () -> ()
    %add3A_7 = arith.constant 80 : i32
    %add3A_8 = arith.addi %mul3A_5, %add3A_7 : i32
    "tpu.region"() ({
      %run_scoped3A = tpu.sem_alloc : memref<!tpu.dma_semaphore, #tpu.memory_space<semaphore_mem>>
      %dma_start3A_86 = arith.constant 0 : i32
      %dma_start3A_87 = arith.constant 0 : i32
      %dma_start3A_88 = tpu.memref_slice %arg40[%dma_start3A_86, %dma_start3A_87] : memref<80x64xf32, #tpu.memory_space<vmem>> -> memref<80x64xf32, #tpu.memory_space<vmem>>
      %dma_start3A_89 = arith.constant 0 : i32
      %dma_start3A_90 = tpu.memref_slice %arg41[%add3A_8, %dma_start3A_89] : memref<10000x64xf32, #tpu.memory_space<vmem_shared>> -> memref<80x64xf32, #tpu.memory_space<vmem_shared>>
      %dma_start3A_91 = arith.constant 0 : i32
      %dma_start3A_92 = tpu.memref_slice %arg41[%add3A_8, %dma_start3A_91] : memref<10000x64xf32, #tpu.memory_space<vmem_shared>> -> memref<80x64xf32, #tpu.memory_space<vmem_shared>>
      %dma_start3A_93 = arith.constant 0 : i32
      %dma_start3A_94 = arith.constant 0 : i32
      %dma_start3A_95 = tpu.memref_slice %arg40[%dma_start3A_93, %dma_start3A_94] : memref<80x64xf32, #tpu.memory_space<vmem>> -> memref<80x64xf32, #tpu.memory_space<vmem>>
      tpu.enqueue_dma source(%dma_start3A_95 : memref<80x64xf32, #tpu.memory_space<vmem>>) target(%dma_start3A_92 : memref<80x64xf32, #tpu.memory_space<vmem_shared>>) target_semaphore(%run_scoped3A : memref<!tpu.dma_semaphore, #tpu.memory_space<semaphore_mem>>)
      %dma_wait3A = arith.constant 0 : i32
      %dma_wait3A_96 = arith.constant 0 : i32
      %dma_wait3A_97 = tpu.memref_slice %arg40[%dma_wait3A, %dma_wait3A_96] : memref<80x64xf32, #tpu.memory_space<vmem>> -> memref<80x64xf32, #tpu.memory_space<vmem>>
      %dma_wait3A_98 = arith.constant 0 : i32
      %dma_wait3A_99 = tpu.memref_slice %arg41[%add3A_8, %dma_wait3A_98] : memref<10000x64xf32, #tpu.memory_space<vmem_shared>> -> memref<80x64xf32, #tpu.memory_space<vmem_shared>>
      %dma_wait3A_100 = arith.constant 0 : i32
      %dma_wait3A_101 = tpu.memref_slice %arg41[%add3A_8, %dma_wait3A_100] : memref<10000x64xf32, #tpu.memory_space<vmem_shared>> -> memref<80x64xf32, #tpu.memory_space<vmem_shared>>
      %dma_wait3A_102 = arith.constant 0 : i32
      %dma_wait3A_103 = arith.constant 0 : i32
      %dma_wait3A_104 = tpu.memref_slice %arg40[%dma_wait3A_102, %dma_wait3A_103] : memref<80x64xf32, #tpu.memory_space<vmem>> -> memref<80x64xf32, #tpu.memory_space<vmem>>
      tpu.wait_dma2 semaphore(%run_scoped3A : memref<!tpu.dma_semaphore, #tpu.memory_space<semaphore_mem>>) src(%dma_wait3A_104 : memref<80x64xf32, #tpu.memory_space<vmem>>) dst(%dma_wait3A_101 : memref<80x64xf32, #tpu.memory_space<vmem_shared>>)
      tpu.yield
    }) : () -> ()
    %add3A_9 = arith.constant 160 : i32
    %add3A_10 = arith.addi %mul3A_5, %add3A_9 : i32
    "tpu.region"() ({
      %run_scoped3A = tpu.sem_alloc : memref<!tpu.dma_semaphore, #tpu.memory_space<semaphore_mem>>
      %dma_start3A_86 = arith.constant 0 : i32
      %dma_start3A_87 = arith.constant 0 : i32
      %dma_start3A_88 = tpu.memref_slice %arg40[%dma_start3A_86, %dma_start3A_87] : memref<80x64xf32, #tpu.memory_space<vmem>> -> memref<80x64xf32, #tpu.memory_space<vmem>>
      %dma_start3A_89 = arith.constant 0 : i32
      %dma_start3A_90 = tpu.memref_slice %arg41[%add3A_10, %dma_start3A_89] : memref<10000x64xf32, #tpu.memory_space<vmem_shared>> -> memref<80x64xf32, #tpu.memory_space<vmem_shared>>
      %dma_start3A_91 = arith.constant 0 : i32
      %dma_start3A_92 = tpu.memref_slice %arg41[%add3A_10, %dma_start3A_91] : memref<10000x64xf32, #tpu.memory_space<vmem_shared>> -> memref<80x64xf32, #tpu.memory_space<vmem_shared>>
      %dma_start3A_93 = arith.constant 0 : i32
      %dma_start3A_94 = arith.constant 0 : i32
      %dma_start3A_95 = tpu.memref_slice %arg40[%dma_start3A_93, %dma_start3A_94] : memref<80x64xf32, #tpu.memory_space<vmem>> -> memref<80x64xf32, #tpu.memory_space<vmem>>
      tpu.enqueue_dma source(%dma_start3A_95 : memref<80x64xf32, #tpu.memory_space<vmem>>) target(%dma_start3A_92 : memref<80x64xf32, #tpu.memory_space<vmem_shared>>) target_semaphore(%run_scoped3A : memref<!tpu.dma_semaphore, #tpu.memory_space<semaphore_mem>>)
      %dma_wait3A = arith.constant 0 : i32
      %dma_wait3A_96 = arith.constant 0 : i32
      %dma_wait3A_97 = tpu.memref_slice %arg40[%dma_wait3A, %dma_wait3A_96] : memref<80x64xf32, #tpu.memory_space<vmem>> -> memref<80x64xf32, #tpu.memory_space<vmem>>
      %dma_wait3A_98 = arith.constant 0 : i32
      %dma_wait3A_99 = tpu.memref_slice %arg41[%add3A_10, %dma_wait3A_98] : memref<10000x64xf32, #tpu.memory_space<vmem_shared>> -> memref<80x64xf32, #tpu.memory_space<vmem_shared>>
      %dma_wait3A_100 = arith.constant 0 : i32
      %dma_wait3A_101 = tpu.memref_slice %arg41[%add3A_10, %dma_wait3A_100] : memref<10000x64xf32, #tpu.memory_space<vmem_shared>> -> memref<80x64xf32, #tpu.memory_space<vmem_shared>>
      %dma_wait3A_102 = arith.constant 0 : i32
      %dma_wait3A_103 = arith.constant 0 : i32
      %dma_wait3A_104 = tpu.memref_slice %arg40[%dma_wait3A_102, %dma_wait3A_103] : memref<80x64xf32, #tpu.memory_space<vmem>> -> memref<80x64xf32, #tpu.memory_space<vmem>>
      tpu.wait_dma2 semaphore(%run_scoped3A : memref<!tpu.dma_semaphore, #tpu.memory_space<semaphore_mem>>) src(%dma_wait3A_104 : memref<80x64xf32, #tpu.memory_space<vmem>>) dst(%dma_wait3A_101 : memref<80x64xf32, #tpu.memory_space<vmem_shared>>)
      tpu.yield
    }) : () -> ()
    %add3A_11 = arith.constant 240 : i32
    %add3A_12 = arith.addi %mul3A_5, %add3A_11 : i32
    "tpu.region"() ({
      %run_scoped3A = tpu.sem_alloc : memref<!tpu.dma_semaphore, #tpu.memory_space<semaphore_mem>>
      %dma_start3A_86 = arith.constant 0 : i32
      %dma_start3A_87 = arith.constant 0 : i32
      %dma_start3A_88 = tpu.memref_slice %arg40[%dma_start3A_86, %dma_start3A_87] : memref<80x64xf32, #tpu.memory_space<vmem>> -> memref<80x64xf32, #tpu.memory_space<vmem>>
      %dma_start3A_89 = arith.constant 0 : i32
      %dma_start3A_90 = tpu.memref_slice %arg41[%add3A_12, %dma_start3A_89] : memref<10000x64xf32, #tpu.memory_space<vmem_shared>> -> memref<80x64xf32, #tpu.memory_space<vmem_shared>>
      %dma_start3A_91 = arith.constant 0 : i32
      %dma_start3A_92 = tpu.memref_slice %arg41[%add3A_12, %dma_start3A_91] : memref<10000x64xf32, #tpu.memory_space<vmem_shared>> -> memref<80x64xf32, #tpu.memory_space<vmem_shared>>
      %dma_start3A_93 = arith.constant 0 : i32
      %dma_start3A_94 = arith.constant 0 : i32
      %dma_start3A_95 = tpu.memref_slice %arg40[%dma_start3A_93, %dma_start3A_94] : memref<80x64xf32, #tpu.memory_space<vmem>> -> memref<80x64xf32, #tpu.memory_space<vmem>>
      tpu.enqueue_dma source(%dma_start3A_95 : memref<80x64xf32, #tpu.memory_space<vmem>>) target(%dma_start3A_92 : memref<80x64xf32, #tpu.memory_space<vmem_shared>>) target_semaphore(%run_scoped3A : memref<!tpu.dma_semaphore, #tpu.memory_space<semaphore_mem>>)
      %dma_wait3A = arith.constant 0 : i32
      %dma_wait3A_96 = arith.constant 0 : i32
      %dma_wait3A_97 = tpu.memref_slice %arg40[%dma_wait3A, %dma_wait3A_96] : memref<80x64xf32, #tpu.memory_space<vmem>> -> memref<80x64xf32, #tpu.memory_space<vmem>>
      %dma_wait3A_98 = arith.constant 0 : i32
      %dma_wait3A_99 = tpu.memref_slice %arg41[%add3A_12, %dma_wait3A_98] : memref<10000x64xf32, #tpu.memory_space<vmem_shared>> -> memref<80x64xf32, #tpu.memory_space<vmem_shared>>
      %dma_wait3A_100 = arith.constant 0 : i32
      %dma_wait3A_101 = tpu.memref_slice %arg41[%add3A_12, %dma_wait3A_100] : memref<10000x64xf32, #tpu.memory_space<vmem_shared>> -> memref<80x64xf32, #tpu.memory_space<vmem_shared>>
      %dma_wait3A_102 = arith.constant 0 : i32
      %dma_wait3A_103 = arith.constant 0 : i32
      %dma_wait3A_104 = tpu.memref_slice %arg40[%dma_wait3A_102, %dma_wait3A_103] : memref<80x64xf32, #tpu.memory_space<vmem>> -> memref<80x64xf32, #tpu.memory_space<vmem>>
      tpu.wait_dma2 semaphore(%run_scoped3A : memref<!tpu.dma_semaphore, #tpu.memory_space<semaphore_mem>>) src(%dma_wait3A_104 : memref<80x64xf32, #tpu.memory_space<vmem>>) dst(%dma_wait3A_101 : memref<80x64xf32, #tpu.memory_space<vmem_shared>>)
      tpu.yield
    }) : () -> ()
    %add3A_13 = arith.constant 320 : i32
    %add3A_14 = arith.addi %mul3A_5, %add3A_13 : i32
    "tpu.region"() ({
      %run_scoped3A = tpu.sem_alloc : memref<!tpu.dma_semaphore, #tpu.memory_space<semaphore_mem>>
      %dma_start3A_86 = arith.constant 0 : i32
      %dma_start3A_87 = arith.constant 0 : i32
      %dma_start3A_88 = tpu.memref_slice %arg40[%dma_start3A_86, %dma_start3A_87] : memref<80x64xf32, #tpu.memory_space<vmem>> -> memref<80x64xf32, #tpu.memory_space<vmem>>
      %dma_start3A_89 = arith.constant 0 : i32
      %dma_start3A_90 = tpu.memref_slice %arg41[%add3A_14, %dma_start3A_89] : memref<10000x64xf32, #tpu.memory_space<vmem_shared>> -> memref<80x64xf32, #tpu.memory_space<vmem_shared>>
      %dma_start3A_91 = arith.constant 0 : i32
      %dma_start3A_92 = tpu.memref_slice %arg41[%add3A_14, %dma_start3A_91] : memref<10000x64xf32, #tpu.memory_space<vmem_shared>> -> memref<80x64xf32, #tpu.memory_space<vmem_shared>>
      %dma_start3A_93 = arith.constant 0 : i32
      %dma_start3A_94 = arith.constant 0 : i32
      %dma_start3A_95 = tpu.memref_slice %arg40[%dma_start3A_93, %dma_start3A_94] : memref<80x64xf32, #tpu.memory_space<vmem>> -> memref<80x64xf32, #tpu.memory_space<vmem>>
      tpu.enqueue_dma source(%dma_start3A_95 : memref<80x64xf32, #tpu.memory_space<vmem>>) target(%dma_start3A_92 : memref<80x64xf32, #tpu.memory_space<vmem_shared>>) target_semaphore(%run_scoped3A : memref<!tpu.dma_semaphore, #tpu.memory_space<semaphore_mem>>)
      %dma_wait3A = arith.constant 0 : i32
      %dma_wait3A_96 = arith.constant 0 : i32
      %dma_wait3A_97 = tpu.memref_slice %arg40[%dma_wait3A, %dma_wait3A_96] : memref<80x64xf32, #tpu.memory_space<vmem>> -> memref<80x64xf32, #tpu.memory_space<vmem>>
      %dma_wait3A_98 = arith.constant 0 : i32
      %dma_wait3A_99 = tpu.memref_slice %arg41[%add3A_14, %dma_wait3A_98] : memref<10000x64xf32, #tpu.memory_space<vmem_shared>> -> memref<80x64xf32, #tpu.memory_space<vmem_shared>>
      %dma_wait3A_100 = arith.constant 0 : i32
      %dma_wait3A_101 = tpu.memref_slice %arg41[%add3A_14, %dma_wait3A_100] : memref<10000x64xf32, #tpu.memory_space<vmem_shared>> -> memref<80x64xf32, #tpu.memory_space<vmem_shared>>
      %dma_wait3A_102 = arith.constant 0 : i32
      %dma_wait3A_103 = arith.constant 0 : i32
      %dma_wait3A_104 = tpu.memref_slice %arg40[%dma_wait3A_102, %dma_wait3A_103] : memref<80x64xf32, #tpu.memory_space<vmem>> -> memref<80x64xf32, #tpu.memory_space<vmem>>
      tpu.wait_dma2 semaphore(%run_scoped3A : memref<!tpu.dma_semaphore, #tpu.memory_space<semaphore_mem>>) src(%dma_wait3A_104 : memref<80x64xf32, #tpu.memory_space<vmem>>) dst(%dma_wait3A_101 : memref<80x64xf32, #tpu.memory_space<vmem_shared>>)
      tpu.yield
    }) : () -> ()
    %add3A_15 = arith.constant 400 : i32
    %add3A_16 = arith.addi %mul3A_5, %add3A_15 : i32
    "tpu.region"() ({
      %run_scoped3A = tpu.sem_alloc : memref<!tpu.dma_semaphore, #tpu.memory_space<semaphore_mem>>
      %dma_start3A_86 = arith.constant 0 : i32
      %dma_start3A_87 = arith.constant 0 : i32
      %dma_start3A_88 = tpu.memref_slice %arg40[%dma_start3A_86, %dma_start3A_87] : memref<80x64xf32, #tpu.memory_space<vmem>> -> memref<80x64xf32, #tpu.memory_space<vmem>>
      %dma_start3A_89 = arith.constant 0 : i32
      %dma_start3A_90 = tpu.memref_slice %arg41[%add3A_16, %dma_start3A_89] : memref<10000x64xf32, #tpu.memory_space<vmem_shared>> -> memref<80x64xf32, #tpu.memory_space<vmem_shared>>
      %dma_start3A_91 = arith.constant 0 : i32
      %dma_start3A_92 = tpu.memref_slice %arg41[%add3A_16, %dma_start3A_91] : memref<10000x64xf32, #tpu.memory_space<vmem_shared>> -> memref<80x64xf32, #tpu.memory_space<vmem_shared>>
      %dma_start3A_93 = arith.constant 0 : i32
      %dma_start3A_94 = arith.constant 0 : i32
      %dma_start3A_95 = tpu.memref_slice %arg40[%dma_start3A_93, %dma_start3A_94] : memref<80x64xf32, #tpu.memory_space<vmem>> -> memref<80x64xf32, #tpu.memory_space<vmem>>
      tpu.enqueue_dma source(%dma_start3A_95 : memref<80x64xf32, #tpu.memory_space<vmem>>) target(%dma_start3A_92 : memref<80x64xf32, #tpu.memory_space<vmem_shared>>) target_semaphore(%run_scoped3A : memref<!tpu.dma_semaphore, #tpu.memory_space<semaphore_mem>>)
      %dma_wait3A = arith.constant 0 : i32
      %dma_wait3A_96 = arith.constant 0 : i32
      %dma_wait3A_97 = tpu.memref_slice %arg40[%dma_wait3A, %dma_wait3A_96] : memref<80x64xf32, #tpu.memory_space<vmem>> -> memref<80x64xf32, #tpu.memory_space<vmem>>
      %dma_wait3A_98 = arith.constant 0 : i32
      %dma_wait3A_99 = tpu.memref_slice %arg41[%add3A_16, %dma_wait3A_98] : memref<10000x64xf32, #tpu.memory_space<vmem_shared>> -> memref<80x64xf32, #tpu.memory_space<vmem_shared>>
      %dma_wait3A_100 = arith.constant 0 : i32
      %dma_wait3A_101 = tpu.memref_slice %arg41[%add3A_16, %dma_wait3A_100] : memref<10000x64xf32, #tpu.memory_space<vmem_shared>> -> memref<80x64xf32, #tpu.memory_space<vmem_shared>>
      %dma_wait3A_102 = arith.constant 0 : i32
      %dma_wait3A_103 = arith.constant 0 : i32
      %dma_wait3A_104 = tpu.memref_slice %arg40[%dma_wait3A_102, %dma_wait3A_103] : memref<80x64xf32, #tpu.memory_space<vmem>> -> memref<80x64xf32, #tpu.memory_space<vmem>>
      tpu.wait_dma2 semaphore(%run_scoped3A : memref<!tpu.dma_semaphore, #tpu.memory_space<semaphore_mem>>) src(%dma_wait3A_104 : memref<80x64xf32, #tpu.memory_space<vmem>>) dst(%dma_wait3A_101 : memref<80x64xf32, #tpu.memory_space<vmem_shared>>)
      tpu.yield
    }) : () -> ()
    %add3A_17 = arith.constant 480 : i32
    %add3A_18 = arith.addi %mul3A_5, %add3A_17 : i32
    "tpu.region"() ({
      %run_scoped3A = tpu.sem_alloc : memref<!tpu.dma_semaphore, #tpu.memory_space<semaphore_mem>>
      %dma_start3A_86 = arith.constant 0 : i32
      %dma_start3A_87 = arith.constant 0 : i32
      %dma_start3A_88 = tpu.memref_slice %arg40[%dma_start3A_86, %dma_start3A_87] : memref<80x64xf32, #tpu.memory_space<vmem>> -> memref<80x64xf32, #tpu.memory_space<vmem>>
      %dma_start3A_89 = arith.constant 0 : i32
      %dma_start3A_90 = tpu.memref_slice %arg41[%add3A_18, %dma_start3A_89] : memref<10000x64xf32, #tpu.memory_space<vmem_shared>> -> memref<80x64xf32, #tpu.memory_space<vmem_shared>>
      %dma_start3A_91 = arith.constant 0 : i32
      %dma_start3A_92 = tpu.memref_slice %arg41[%add3A_18, %dma_start3A_91] : memref<10000x64xf32, #tpu.memory_space<vmem_shared>> -> memref<80x64xf32, #tpu.memory_space<vmem_shared>>
      %dma_start3A_93 = arith.constant 0 : i32
      %dma_start3A_94 = arith.constant 0 : i32
      %dma_start3A_95 = tpu.memref_slice %arg40[%dma_start3A_93, %dma_start3A_94] : memref<80x64xf32, #tpu.memory_space<vmem>> -> memref<80x64xf32, #tpu.memory_space<vmem>>
      tpu.enqueue_dma source(%dma_start3A_95 : memref<80x64xf32, #tpu.memory_space<vmem>>) target(%dma_start3A_92 : memref<80x64xf32, #tpu.memory_space<vmem_shared>>) target_semaphore(%run_scoped3A : memref<!tpu.dma_semaphore, #tpu.memory_space<semaphore_mem>>)
      %dma_wait3A = arith.constant 0 : i32
      %dma_wait3A_96 = arith.constant 0 : i32
      %dma_wait3A_97 = tpu.memref_slice %arg40[%dma_wait3A, %dma_wait3A_96] : memref<80x64xf32, #tpu.memory_space<vmem>> -> memref<80x64xf32, #tpu.memory_space<vmem>>
      %dma_wait3A_98 = arith.constant 0 : i32
      %dma_wait3A_99 = tpu.memref_slice %arg41[%add3A_18, %dma_wait3A_98] : memref<10000x64xf32, #tpu.memory_space<vmem_shared>> -> memref<80x64xf32, #tpu.memory_space<vmem_shared>>
      %dma_wait3A_100 = arith.constant 0 : i32
      %dma_wait3A_101 = tpu.memref_slice %arg41[%add3A_18, %dma_wait3A_100] : memref<10000x64xf32, #tpu.memory_space<vmem_shared>> -> memref<80x64xf32, #tpu.memory_space<vmem_shared>>
      %dma_wait3A_102 = arith.constant 0 : i32
      %dma_wait3A_103 = arith.constant 0 : i32
      %dma_wait3A_104 = tpu.memref_slice %arg40[%dma_wait3A_102, %dma_wait3A_103] : memref<80x64xf32, #tpu.memory_space<vmem>> -> memref<80x64xf32, #tpu.memory_space<vmem>>
      tpu.wait_dma2 semaphore(%run_scoped3A : memref<!tpu.dma_semaphore, #tpu.memory_space<semaphore_mem>>) src(%dma_wait3A_104 : memref<80x64xf32, #tpu.memory_space<vmem>>) dst(%dma_wait3A_101 : memref<80x64xf32, #tpu.memory_space<vmem_shared>>)
      tpu.yield
    }) : () -> ()
    %add3A_19 = arith.constant 560 : i32
    %add3A_20 = arith.addi %mul3A_5, %add3A_19 : i32
    "tpu.region"() ({
      %run_scoped3A = tpu.sem_alloc : memref<!tpu.dma_semaphore, #tpu.memory_space<semaphore_mem>>
      %dma_start3A_86 = arith.constant 0 : i32
      %dma_start3A_87 = arith.constant 0 : i32
      %dma_start3A_88 = tpu.memref_slice %arg40[%dma_start3A_86, %dma_start3A_87] : memref<80x64xf32, #tpu.memory_space<vmem>> -> memref<64x64xf32, #tpu.memory_space<vmem>>
      %dma_start3A_89 = arith.constant 0 : i32
      %dma_start3A_90 = tpu.memref_slice %arg41[%add3A_20, %dma_start3A_89] : memref<10000x64xf32, #tpu.memory_space<vmem_shared>> -> memref<64x64xf32, #tpu.memory_space<vmem_shared>>
      %dma_start3A_91 = arith.constant 0 : i32
      %dma_start3A_92 = tpu.memref_slice %arg41[%add3A_20, %dma_start3A_91] : memref<10000x64xf32, #tpu.memory_space<vmem_shared>> -> memref<64x64xf32, #tpu.memory_space<vmem_shared>>
      %dma_start3A_93 = arith.constant 0 : i32
      %dma_start3A_94 = arith.constant 0 : i32
      %dma_start3A_95 = tpu.memref_slice %arg40[%dma_start3A_93, %dma_start3A_94] : memref<80x64xf32, #tpu.memory_space<vmem>> -> memref<64x64xf32, #tpu.memory_space<vmem>>
      tpu.enqueue_dma source(%dma_start3A_95 : memref<64x64xf32, #tpu.memory_space<vmem>>) target(%dma_start3A_92 : memref<64x64xf32, #tpu.memory_space<vmem_shared>>) target_semaphore(%run_scoped3A : memref<!tpu.dma_semaphore, #tpu.memory_space<semaphore_mem>>)
      %dma_wait3A = arith.constant 0 : i32
      %dma_wait3A_96 = arith.constant 0 : i32
      %dma_wait3A_97 = tpu.memref_slice %arg40[%dma_wait3A, %dma_wait3A_96] : memref<80x64xf32, #tpu.memory_space<vmem>> -> memref<64x64xf32, #tpu.memory_space<vmem>>
      %dma_wait3A_98 = arith.constant 0 : i32
      %dma_wait3A_99 = tpu.memref_slice %arg41[%add3A_20, %dma_wait3A_98] : memref<10000x64xf32, #tpu.memory_space<vmem_shared>> -> memref<64x64xf32, #tpu.memory_space<vmem_shared>>
      %dma_wait3A_100 = arith.constant 0 : i32
      %dma_wait3A_101 = tpu.memref_slice %arg41[%add3A_20, %dma_wait3A_100] : memref<10000x64xf32, #tpu.memory_space<vmem_shared>> -> memref<64x64xf32, #tpu.memory_space<vmem_shared>>
      %dma_wait3A_102 = arith.constant 0 : i32
      %dma_wait3A_103 = arith.constant 0 : i32
      %dma_wait3A_104 = tpu.memref_slice %arg40[%dma_wait3A_102, %dma_wait3A_103] : memref<80x64xf32, #tpu.memory_space<vmem>> -> memref<64x64xf32, #tpu.memory_space<vmem>>
      tpu.wait_dma2 semaphore(%run_scoped3A : memref<!tpu.dma_semaphore, #tpu.memory_space<semaphore_mem>>) src(%dma_wait3A_104 : memref<64x64xf32, #tpu.memory_space<vmem>>) dst(%dma_wait3A_101 : memref<64x64xf32, #tpu.memory_space<vmem_shared>>)
      tpu.yield
    }) : () -> ()
    %eq3A = arith.constant 15 : i32
    %eq3A_21 = arith.cmpi eq, %arg1, %eq3A : i32
    %convert_element_type3A = arith.extui %eq3A_21 : i1 to i32
    %cond3A = arith.constant 0 : i32
    %cond3A_22 = arith.cmpi ne, %convert_element_type3A, %cond3A : i32
    scf.if %cond3A_22 {
      "tpu.region"() ({
        %run_scoped3A = tpu.sem_alloc : memref<!tpu.dma_semaphore, #tpu.memory_space<semaphore_mem>>
        %dma_start3A_86 = arith.constant 0 : i32
        %dma_start3A_87 = arith.constant 0 : i32
        %dma_start3A_88 = tpu.memref_slice %arg40[%dma_start3A_86, %dma_start3A_87] : memref<80x64xf32, #tpu.memory_space<vmem>> -> memref<16x64xf32, #tpu.memory_space<vmem>>
        %dma_start3A_89 = arith.constant 9984 : i32
        %dma_start3A_90 = arith.constant 0 : i32
        %dma_start3A_91 = tpu.memref_slice %arg41[%dma_start3A_89, %dma_start3A_90] : memref<10000x64xf32, #tpu.memory_space<vmem_shared>> -> memref<16x64xf32, #tpu.memory_space<vmem_shared>>
        %dma_start3A_92 = arith.constant 9984 : i32
        %dma_start3A_93 = arith.constant 0 : i32
        %dma_start3A_94 = tpu.memref_slice %arg41[%dma_start3A_92, %dma_start3A_93] : memref<10000x64xf32, #tpu.memory_space<vmem_shared>> -> memref<16x64xf32, #tpu.memory_space<vmem_shared>>
        %dma_start3A_95 = arith.constant 0 : i32
        %dma_start3A_96 = arith.constant 0 : i32
        %dma_start3A_97 = tpu.memref_slice %arg40[%dma_start3A_95, %dma_start3A_96] : memref<80x64xf32, #tpu.memory_space<vmem>> -> memref<16x64xf32, #tpu.memory_space<vmem>>
        tpu.enqueue_dma source(%dma_start3A_97 : memref<16x64xf32, #tpu.memory_space<vmem>>) target(%dma_start3A_94 : memref<16x64xf32, #tpu.memory_space<vmem_shared>>) target_semaphore(%run_scoped3A : memref<!tpu.dma_semaphore, #tpu.memory_space<semaphore_mem>>)
        %dma_wait3A = arith.constant 0 : i32
        %dma_wait3A_98 = arith.constant 0 : i32
        %dma_wait3A_99 = tpu.memref_slice %arg40[%dma_wait3A, %dma_wait3A_98] : memref<80x64xf32, #tpu.memory_space<vmem>> -> memref<16x64xf32, #tpu.memory_space<vmem>>
        %dma_wait3A_100 = arith.constant 9984 : i32
        %dma_wait3A_101 = arith.constant 0 : i32
        %dma_wait3A_102 = tpu.memref_slice %arg41[%dma_wait3A_100, %dma_wait3A_101] : memref<10000x64xf32, #tpu.memory_space<vmem_shared>> -> memref<16x64xf32, #tpu.memory_space<vmem_shared>>
        %dma_wait3A_103 = arith.constant 9984 : i32
        %dma_wait3A_104 = arith.constant 0 : i32
        %dma_wait3A_105 = tpu.memref_slice %arg41[%dma_wait3A_103, %dma_wait3A_104] : memref<10000x64xf32, #tpu.memory_space<vmem_shared>> -> memref<16x64xf32, #tpu.memory_space<vmem_shared>>
        %dma_wait3A_106 = arith.constant 0 : i32
        %dma_wait3A_107 = arith.constant 0 : i32
        %dma_wait3A_108 = tpu.memref_slice %arg40[%dma_wait3A_106, %dma_wait3A_107] : memref<80x64xf32, #tpu.memory_space<vmem>> -> memref<16x64xf32, #tpu.memory_space<vmem>>
        tpu.wait_dma2 semaphore(%run_scoped3A : memref<!tpu.dma_semaphore, #tpu.memory_space<semaphore_mem>>) src(%dma_wait3A_108 : memref<16x64xf32, #tpu.memory_space<vmem>>) dst(%dma_wait3A_105 : memref<16x64xf32, #tpu.memory_space<vmem_shared>>)
        tpu.yield
      }) : () -> ()
    } else {
    }
    %barrier3A = arith.constant 0 : index
    tpu.barrier barrier_id(%barrier3A)
    %get3A = arith.constant 0 : index
    %get3A_23 = tpu.vector_load %arg17[%get3A] {strides = array<i32>} : memref<48xf32, #tpu.memory_space<vmem>>, vector<16xf32>,
    %get3A_24 = arith.constant 16 : index
    %get3A_25 = tpu.vector_load %arg17[%get3A_24] {strides = array<i32>} : memref<48xf32, #tpu.memory_space<vmem>>, vector<16xf32>,
    %get3A_26 = arith.constant 32 : index
    %get3A_27 = tpu.vector_load %arg17[%get3A_26] {strides = array<i32>} : memref<48xf32, #tpu.memory_space<vmem>>, vector<16xf32>,
    %slice3A = vector.extract_strided_slice %get3A_27 {offsets = [0], sizes = [1], strides = [1]} : vector<16xf32> to vector<1xf32>
    %squeeze3A = vector.extract %slice3A[0] : f32 from vector<1xf32>
    %iota3A = tpu.iota {dimensions = array<i32: 0>} : vector<16xi32>
    %mul3A_28 = arith.constant 20000 : i32
    %mul3A_29 = arith.muli %arg1, %mul3A_28 : i32
    %mul3A_30 = arith.constant 10240 : i32
    %mul3A_31 = arith.muli %arg0, %mul3A_30 : i32
    %mul3A_32 = arith.constant 10368 : i32
    %mul3A_33 = arith.muli %arg0, %mul3A_32 : i32
    %xor3A = arith.constant 8 : i32
    %xor3A_34 = vector.broadcast %xor3A : i32 to vector<16xi32>
    %xor3A_35 = arith.xori %iota3A, %xor3A_34 : vector<16xi32>
    %xor3A_36 = arith.constant 4 : i32
    %xor3A_37 = vector.broadcast %xor3A_36 : i32 to vector<16xi32>
    %xor3A_38 = arith.xori %iota3A, %xor3A_37 : vector<16xi32>
    %xor3A_39 = arith.constant 2 : i32
    %xor3A_40 = vector.broadcast %xor3A_39 : i32 to vector<16xi32>
    %xor3A_41 = arith.xori %iota3A, %xor3A_40 : vector<16xi32>
    %xor3A_42 = arith.constant 1 : i32
    %xor3A_43 = vector.broadcast %xor3A_42 : i32 to vector<16xi32>
    %xor3A_44 = arith.xori %iota3A, %xor3A_43 : vector<16xi32>
    %add3A_45 = arith.constant 0 : i32
    %add3A_46 = arith.addi %mul3A_29, %add3A_45 : i32
    %multiple_of3A = tpu.assume_multiple %add3A_46, 8 : i32
    "tpu.region"() ({
      %run_scoped3A = tpu.sem_alloc : memref<!tpu.dma_semaphore, #tpu.memory_space<semaphore_mem>>
      %dma_start3A_86 = tpu.memref_slice %arg5[%multiple_of3A] : memref<320160xi32, #tpu.memory_space<hbm>> -> memref<80xi32, #tpu.memory_space<hbm>>
      %dma_start3A_87 = tpu.memref_slice %arg5[%multiple_of3A] : memref<320160xi32, #tpu.memory_space<hbm>> -> memref<80xi32, #tpu.memory_space<hbm>>
      tpu.enqueue_dma source(%dma_start3A_87 : memref<80xi32, #tpu.memory_space<hbm>>) target(%arg18 : memref<80xi32, #tpu.memory_space<vmem>>) target_semaphore(%run_scoped3A : memref<!tpu.dma_semaphore, #tpu.memory_space<semaphore_mem>>)
      %dma_wait3A = tpu.memref_slice %arg5[%multiple_of3A] : memref<320160xi32, #tpu.memory_space<hbm>> -> memref<80xi32, #tpu.memory_space<hbm>>
      %dma_wait3A_88 = tpu.memref_slice %arg5[%multiple_of3A] : memref<320160xi32, #tpu.memory_space<hbm>> -> memref<80xi32, #tpu.memory_space<hbm>>
      tpu.wait_dma2 semaphore(%run_scoped3A : memref<!tpu.dma_semaphore, #tpu.memory_space<semaphore_mem>>) src(%dma_wait3A_88 : memref<80xi32, #tpu.memory_space<hbm>>) dst(%arg18 : memref<80xi32, #tpu.memory_space<vmem>>)
      tpu.yield
    }) : () -> ()
    "tpu.region"() ({
      %run_scoped3A = tpu.sem_alloc : memref<!tpu.dma_semaphore, #tpu.memory_space<semaphore_mem>>
      %dma_start3A_86 = tpu.memref_slice %arg6[%multiple_of3A] : memref<320160xi32, #tpu.memory_space<hbm>> -> memref<80xi32, #tpu.memory_space<hbm>>
      %dma_start3A_87 = tpu.memref_slice %arg6[%multiple_of3A] : memref<320160xi32, #tpu.memory_space<hbm>> -> memref<80xi32, #tpu.memory_space<hbm>>
      tpu.enqueue_dma source(%dma_start3A_87 : memref<80xi32, #tpu.memory_space<hbm>>) target(%arg19 : memref<80xi32, #tpu.memory_space<vmem>>) target_semaphore(%run_scoped3A : memref<!tpu.dma_semaphore, #tpu.memory_space<semaphore_mem>>)
      %dma_wait3A = tpu.memref_slice %arg6[%multiple_of3A] : memref<320160xi32, #tpu.memory_space<hbm>> -> memref<80xi32, #tpu.memory_space<hbm>>
      %dma_wait3A_88 = tpu.memref_slice %arg6[%multiple_of3A] : memref<320160xi32, #tpu.memory_space<hbm>> -> memref<80xi32, #tpu.memory_space<hbm>>
      tpu.wait_dma2 semaphore(%run_scoped3A : memref<!tpu.dma_semaphore, #tpu.memory_space<semaphore_mem>>) src(%dma_wait3A_88 : memref<80xi32, #tpu.memory_space<hbm>>) dst(%arg19 : memref<80xi32, #tpu.memory_space<vmem>>)
      tpu.yield
    }) : () -> ()
    "tpu.region"() ({
      %run_scoped3A = tpu.sem_alloc : memref<!tpu.dma_semaphore, #tpu.memory_space<semaphore_mem>>
      %dma_start3A_86 = tpu.memref_slice %arg7[%multiple_of3A] : memref<320160xi32, #tpu.memory_space<hbm>> -> memref<80xi32, #tpu.memory_space<hbm>>
      %dma_start3A_87 = tpu.memref_slice %arg7[%multiple_of3A] : memref<320160xi32, #tpu.memory_space<hbm>> -> memref<80xi32, #tpu.memory_space<hbm>>
      tpu.enqueue_dma source(%dma_start3A_87 : memref<80xi32, #tpu.memory_space<hbm>>) target(%arg20 : memref<80xi32, #tpu.memory_space<vmem>>) target_semaphore(%run_scoped3A : memref<!tpu.dma_semaphore, #tpu.memory_space<semaphore_mem>>)
      %dma_wait3A = tpu.memref_slice %arg7[%multiple_of3A] : memref<320160xi32, #tpu.memory_space<hbm>> -> memref<80xi32, #tpu.memory_space<hbm>>
      %dma_wait3A_88 = tpu.memref_slice %arg7[%multiple_of3A] : memref<320160xi32, #tpu.memory_space<hbm>> -> memref<80xi32, #tpu.memory_space<hbm>>
      tpu.wait_dma2 semaphore(%run_scoped3A : memref<!tpu.dma_semaphore, #tpu.memory_space<semaphore_mem>>) src(%dma_wait3A_88 : memref<80xi32, #tpu.memory_space<hbm>>) dst(%arg20 : memref<80xi32, #tpu.memory_space<vmem>>)
      tpu.yield
    }) : () -> ()
    "tpu.region"() ({
      %run_scoped3A = tpu.sem_alloc : memref<!tpu.dma_semaphore, #tpu.memory_space<semaphore_mem>>
      %dma_start3A_86 = tpu.memref_slice %arg8[%multiple_of3A] : memref<320160xi32, #tpu.memory_space<hbm>> -> memref<80xi32, #tpu.memory_space<hbm>>
      %dma_start3A_87 = tpu.memref_slice %arg8[%multiple_of3A] : memref<320160xi32, #tpu.memory_space<hbm>> -> memref<80xi32, #tpu.memory_space<hbm>>
      tpu.enqueue_dma source(%dma_start3A_87 : memref<80xi32, #tpu.memory_space<hbm>>) target(%arg21 : memref<80xi32, #tpu.memory_space<vmem>>) target_semaphore(%run_scoped3A : memref<!tpu.dma_semaphore, #tpu.memory_space<semaphore_mem>>)
      %dma_wait3A = tpu.memref_slice %arg8[%multiple_of3A] : memref<320160xi32, #tpu.memory_space<hbm>> -> memref<80xi32, #tpu.memory_space<hbm>>
      %dma_wait3A_88 = tpu.memref_slice %arg8[%multiple_of3A] : memref<320160xi32, #tpu.memory_space<hbm>> -> memref<80xi32, #tpu.memory_space<hbm>>
      tpu.wait_dma2 semaphore(%run_scoped3A : memref<!tpu.dma_semaphore, #tpu.memory_space<semaphore_mem>>) src(%dma_wait3A_88 : memref<80xi32, #tpu.memory_space<hbm>>) dst(%arg21 : memref<80xi32, #tpu.memory_space<vmem>>)
      tpu.yield
    }) : () -> ()
    "tpu.region"() ({
      %run_scoped3A = tpu.sem_alloc : memref<!tpu.dma_semaphore, #tpu.memory_space<semaphore_mem>>
      %dma_start3A_86 = tpu.memref_slice %arg9[%multiple_of3A] : memref<320160xi32, #tpu.memory_space<hbm>> -> memref<80xi32, #tpu.memory_space<hbm>>
      %dma_start3A_87 = tpu.memref_slice %arg9[%multiple_of3A] : memref<320160xi32, #tpu.memory_space<hbm>> -> memref<80xi32, #tpu.memory_space<hbm>>
      tpu.enqueue_dma source(%dma_start3A_87 : memref<80xi32, #tpu.memory_space<hbm>>) target(%arg22 : memref<80xi32, #tpu.memory_space<vmem>>) target_semaphore(%run_scoped3A : memref<!tpu.dma_semaphore, #tpu.memory_space<semaphore_mem>>)
      %dma_wait3A = tpu.memref_slice %arg9[%multiple_of3A] : memref<320160xi32, #tpu.memory_space<hbm>> -> memref<80xi32, #tpu.memory_space<hbm>>
      %dma_wait3A_88 = tpu.memref_slice %arg9[%multiple_of3A] : memref<320160xi32, #tpu.memory_space<hbm>> -> memref<80xi32, #tpu.memory_space<hbm>>
      tpu.wait_dma2 semaphore(%run_scoped3A : memref<!tpu.dma_semaphore, #tpu.memory_space<semaphore_mem>>) src(%dma_wait3A_88 : memref<80xi32, #tpu.memory_space<hbm>>) dst(%arg22 : memref<80xi32, #tpu.memory_space<vmem>>)
      tpu.yield
    }) : () -> ()
    %scan3A_47 = arith.constant 0 : i32
    %scan3A_48 = arith.constant 0 : i32
    %scan3A_49 = arith.constant 5 : i32
    %scan3A_50 = arith.addi %scan3A_48, %scan3A_49 : i32
    %scan3A_51 = arith.constant 1 : i32
    scf.for %scan3A_86 = %scan3A_48 to %scan3A_50 step %scan3A_51  : i32 {
      %mul3A_87 = arith.constant 16 : i32
      %mul3A_88 = arith.muli %scan3A_86, %mul3A_87 : i32
      %get3A_89 = arith.index_cast %mul3A_88 : i32 to index
      %get3A_90 = tpu.vector_load %arg18[%get3A_89] {strides = array<i32>} : memref<80xi32, #tpu.memory_space<vmem>>, vector<16xi32>,
      %gather3A = tpu.vector_load_idx %arg15[%get3A_90] : memref<10000xi32, #tpu.memory_space<vmem>>[vector<16xi32>], vector<16xi32>,
      %gather3A_91 = tpu.vector_load_idx %arg16[%get3A_90] : memref<10000xi32, #tpu.memory_space<vmem>>[vector<16xi32>], vector<16xi32>,
      %get3A_92 = arith.index_cast %mul3A_88 : i32 to index
      %get3A_93 = tpu.vector_load %arg20[%get3A_92] {strides = array<i32>} : memref<80xi32, #tpu.memory_space<vmem>>, vector<16xi32>,
      %ge3A = arith.constant 0 : i32
      %ge3A_94 = vector.broadcast %ge3A : i32 to vector<16xi32>
      %ge3A_95 = arith.cmpi sge, %get3A_93, %ge3A_94 : vector<16xi32>
      %select_n3A = arith.select %ge3A_95, %get3A_93, %gather3A_91 : vector<16xi1>, vector<16xi32>
      %sub3A = arith.subi %select_n3A, %gather3A_91 : vector<16xi32>
      %add3A_96 = arith.constant 366 : i32
      %add3A_97 = vector.broadcast %add3A_96 : i32 to vector<16xi32>
      %add3A_98 = arith.addi %sub3A, %add3A_97 : vector<16xi32>
      %jit3A = arith.constant 0 : i32
      %jit3A_99 = arith.constant 10367 : i32
      %max3A = vector.broadcast %jit3A : i32 to vector<16xi32>
      %max3A_100 = arith.maxsi %max3A, %add3A_98 : vector<16xi32>
      %min3A = vector.broadcast %jit3A_99 : i32 to vector<16xi32>
      %min3A_101 = arith.minsi %min3A, %max3A_100 : vector<16xi32>
      %get3A_102 = arith.index_cast %mul3A_88 : i32 to index
      %get3A_103 = tpu.vector_load %arg22[%get3A_102] {strides = array<i32>} : memref<80xi32, #tpu.memory_space<vmem>>, vector<16xi32>,
      %jit3A_104 = arith.constant 0 : i32
      %jit3A_105 = arith.constant 9999 : i32
      %max3A_106 = vector.broadcast %jit3A_104 : i32 to vector<16xi32>
      %max3A_107 = arith.maxsi %max3A_106, %get3A_103 : vector<16xi32>
      %min3A_108 = vector.broadcast %jit3A_105 : i32 to vector<16xi32>
      %min3A_109 = arith.minsi %min3A_108, %max3A_107 : vector<16xi32>
      %get3A_110 = arith.index_cast %mul3A_88 : i32 to index
      %get3A_111 = tpu.vector_load %arg21[%get3A_110] {strides = array<i32>} : memref<80xi32, #tpu.memory_space<vmem>>, vector<16xi32>,
      %add3A_112 = vector.broadcast %mul3A_31 : i32 to vector<16xi32>
      %add3A_113 = arith.addi %get3A_111, %add3A_112 : vector<16xi32>
      %swap3A = arith.index_cast %mul3A_88 : i32 to index
      %swap3A_114 = tpu.vector_load %arg21[%swap3A] {strides = array<i32>} : memref<80xi32, #tpu.memory_space<vmem>>, vector<16xi32>,
      tpu.vector_store %arg21[%swap3A], %add3A_113 {strides = array<i32>} : memref<80xi32, #tpu.memory_space<vmem>>, vector<16xi32>,
      %get3A_115 = arith.index_cast %mul3A_88 : i32 to index
      %get3A_116 = tpu.vector_load %arg19[%get3A_115] {strides = array<i32>} : memref<80xi32, #tpu.memory_space<vmem>>, vector<16xi32>,
      %add3A_117 = vector.broadcast %mul3A_31 : i32 to vector<16xi32>
      %add3A_118 = arith.addi %get3A_116, %add3A_117 : vector<16xi32>
      %swap3A_119 = arith.index_cast %mul3A_88 : i32 to index
      %swap3A_120 = tpu.vector_load %arg19[%swap3A_119] {strides = array<i32>} : memref<80xi32, #tpu.memory_space<vmem>>, vector<16xi32>,
      tpu.vector_store %arg19[%swap3A_119], %add3A_118 {strides = array<i32>} : memref<80xi32, #tpu.memory_space<vmem>>, vector<16xi32>,
      %swap3A_121 = arith.index_cast %mul3A_88 : i32 to index
      %swap3A_122 = tpu.vector_load %arg23[%swap3A_121] {strides = array<i32>} : memref<80xi32, #tpu.memory_space<vmem>>, vector<16xi32>,
      tpu.vector_store %arg23[%swap3A_121], %gather3A {strides = array<i32>} : memref<80xi32, #tpu.memory_space<vmem>>, vector<16xi32>,
      %add3A_123 = vector.broadcast %mul3A_33 : i32 to vector<16xi32>
      %add3A_124 = arith.addi %min3A_101, %add3A_123 : vector<16xi32>
      %swap3A_125 = arith.index_cast %mul3A_88 : i32 to index
      %swap3A_126 = tpu.vector_load %arg24[%swap3A_125] {strides = array<i32>} : memref<80xi32, #tpu.memory_space<vmem>>, vector<16xi32>,
      tpu.vector_store %arg24[%swap3A_125], %add3A_124 {strides = array<i32>} : memref<80xi32, #tpu.memory_space<vmem>>, vector<16xi32>,
      %swap3A_127 = arith.index_cast %mul3A_88 : i32 to index
      %swap3A_128 = tpu.vector_load %arg22[%swap3A_127] {strides = array<i32>} : memref<80xi32, #tpu.memory_space<vmem>>, vector<16xi32>,
      tpu.vector_store %arg22[%swap3A_127], %min3A_109 {strides = array<i32>} : memref<80xi32, #tpu.memory_space<vmem>>, vector<16xi32>,
    }
    %scan3A_52 = arith.constant 5 : i32
    %dma_start3A = arith.constant 0 : i32
    %dma_start3A_53 = arith.constant 0 : i32
    %dma_start3A_54 = tpu.memref_slice %arg10[%dma_start3A, %dma_start3A_53] : memref<20480x96xf32, #tpu.memory_space<hbm>> -> memref<20480x96xf32, #tpu.memory_space<hbm>>
    tpu.enqueue_indirect_dma source(%dma_start3A_54 : memref<20480x96xf32, #tpu.memory_space<hbm>>) target(%arg25 : memref<80x96xf32, #tpu.memory_space<vmem>>) offsets(%arg21 : memref<80xi32, #tpu.memory_space<vmem>>) semaphore(%arg42 : memref<!tpu.dma_semaphore, #tpu.memory_space<semaphore_mem>>)
    %dma_start3A_55 = arith.constant 0 : i32
    %dma_start3A_56 = arith.constant 0 : i32
    %dma_start3A_57 = tpu.memref_slice %arg11[%dma_start3A_55, %dma_start3A_56] : memref<20480x96xf32, #tpu.memory_space<hbm>> -> memref<20480x96xf32, #tpu.memory_space<hbm>>
    tpu.enqueue_indirect_dma source(%dma_start3A_57 : memref<20480x96xf32, #tpu.memory_space<hbm>>) target(%arg26 : memref<80x96xf32, #tpu.memory_space<vmem>>) offsets(%arg19 : memref<80xi32, #tpu.memory_space<vmem>>) semaphore(%arg42 : memref<!tpu.dma_semaphore, #tpu.memory_space<semaphore_mem>>)
    %dma_start3A_58 = arith.constant 0 : i32
    %dma_start3A_59 = arith.constant 0 : i32
    %dma_start3A_60 = tpu.memref_slice %arg12[%dma_start3A_58, %dma_start3A_59] : memref<20736x96xf32, #tpu.memory_space<hbm>> -> memref<20736x96xf32, #tpu.memory_space<hbm>>
    tpu.enqueue_indirect_dma source(%dma_start3A_60 : memref<20736x96xf32, #tpu.memory_space<hbm>>) target(%arg27 : memref<80x96xf32, #tpu.memory_space<vmem>>) offsets(%arg24 : memref<80xi32, #tpu.memory_space<vmem>>) semaphore(%arg42 : memref<!tpu.dma_semaphore, #tpu.memory_space<semaphore_mem>>)
    %dma_start3A_61 = arith.constant 0 : i32
    %dma_start3A_62 = arith.constant 0 : i32
    %dma_start3A_63 = tpu.memref_slice %arg13[%dma_start3A_61, %dma_start3A_62] : memref<10240x32xf32, #tpu.memory_space<hbm>> -> memref<10240x32xf32, #tpu.memory_space<hbm>>
    tpu.enqueue_indirect_dma source(%dma_start3A_63 : memref<10240x32xf32, #tpu.memory_space<hbm>>) target(%arg28 : memref<80x32xf32, #tpu.memory_space<vmem>>) offsets(%arg23 : memref<80xi32, #tpu.memory_space<vmem>>) semaphore(%arg42 : memref<!tpu.dma_semaphore, #tpu.memory_space<semaphore_mem>>)
    %scan3A_64 = arith.constant 0 : i32
    %scan3A_65 = arith.constant 0 : i32
    %scan3A_66 = arith.constant 125 : i32
    %scan3A_67 = arith.addi %scan3A_65, %scan3A_66 : i32
    %scan3A_68 = arith.constant 1 : i32
    scf.for %scan3A_86 = %scan3A_65 to %scan3A_67 step %scan3A_68  : i32 {
      %mul3A_87 = arith.constant 2 : i32
      %mul3A_88 = arith.muli %scan3A_86, %mul3A_87 : i32
      %dma_wait3A = arith.constant 0 : i32
      %dma_wait3A_89 = arith.constant 0 : i32
      %dma_wait3A_90 = tpu.memref_slice %arg10[%dma_wait3A, %dma_wait3A_89] : memref<20480x96xf32, #tpu.memory_space<hbm>> -> memref<20480x96xf32, #tpu.memory_space<hbm>>
      tpu.wait_indirect_dma semaphore(%arg42 : memref<!tpu.dma_semaphore, #tpu.memory_space<semaphore_mem>>) src(%dma_wait3A_90 : memref<20480x96xf32, #tpu.memory_space<hbm>>) dst(%arg25 : memref<80x96xf32, #tpu.memory_space<vmem>>)
      %dma_wait3A_91 = arith.constant 0 : i32
      %dma_wait3A_92 = arith.constant 0 : i32
      %dma_wait3A_93 = tpu.memref_slice %arg11[%dma_wait3A_91, %dma_wait3A_92] : memref<20480x96xf32, #tpu.memory_space<hbm>> -> memref<20480x96xf32, #tpu.memory_space<hbm>>
      tpu.wait_indirect_dma semaphore(%arg42 : memref<!tpu.dma_semaphore, #tpu.memory_space<semaphore_mem>>) src(%dma_wait3A_93 : memref<20480x96xf32, #tpu.memory_space<hbm>>) dst(%arg26 : memref<80x96xf32, #tpu.memory_space<vmem>>)
      %dma_wait3A_94 = arith.constant 0 : i32
      %dma_wait3A_95 = arith.constant 0 : i32
      %dma_wait3A_96 = tpu.memref_slice %arg12[%dma_wait3A_94, %dma_wait3A_95] : memref<20736x96xf32, #tpu.memory_space<hbm>> -> memref<20736x96xf32, #tpu.memory_space<hbm>>
      tpu.wait_indirect_dma semaphore(%arg42 : memref<!tpu.dma_semaphore, #tpu.memory_space<semaphore_mem>>) src(%dma_wait3A_96 : memref<20736x96xf32, #tpu.memory_space<hbm>>) dst(%arg27 : memref<80x96xf32, #tpu.memory_space<vmem>>)
      %dma_wait3A_97 = arith.constant 0 : i32
      %dma_wait3A_98 = arith.constant 0 : i32
      %dma_wait3A_99 = tpu.memref_slice %arg13[%dma_wait3A_97, %dma_wait3A_98] : memref<10240x32xf32, #tpu.memory_space<hbm>> -> memref<10240x32xf32, #tpu.memory_space<hbm>>
      tpu.wait_indirect_dma semaphore(%arg42 : memref<!tpu.dma_semaphore, #tpu.memory_space<semaphore_mem>>) src(%dma_wait3A_99 : memref<10240x32xf32, #tpu.memory_space<hbm>>) dst(%arg28 : memref<80x32xf32, #tpu.memory_space<vmem>>)
      %add3A_100 = arith.constant 1 : i32
      %add3A_101 = arith.addi %mul3A_88, %add3A_100 : i32
      %mul3A_102 = arith.constant 80 : i32
      %mul3A_103 = arith.muli %add3A_101, %mul3A_102 : i32
      %add3A_104 = arith.addi %mul3A_29, %mul3A_103 : i32
      %multiple_of3A_105 = tpu.assume_multiple %add3A_104, 8 : i32
      "tpu.region"() ({
        %run_scoped3A = tpu.sem_alloc : memref<!tpu.dma_semaphore, #tpu.memory_space<semaphore_mem>>
        %dma_start3A_144 = tpu.memref_slice %arg5[%multiple_of3A_105] : memref<320160xi32, #tpu.memory_space<hbm>> -> memref<80xi32, #tpu.memory_space<hbm>>
        %dma_start3A_145 = tpu.memref_slice %arg5[%multiple_of3A_105] : memref<320160xi32, #tpu.memory_space<hbm>> -> memref<80xi32, #tpu.memory_space<hbm>>
        tpu.enqueue_dma source(%dma_start3A_145 : memref<80xi32, #tpu.memory_space<hbm>>) target(%arg29 : memref<80xi32, #tpu.memory_space<vmem>>) target_semaphore(%run_scoped3A : memref<!tpu.dma_semaphore, #tpu.memory_space<semaphore_mem>>)
        %dma_wait3A_146 = tpu.memref_slice %arg5[%multiple_of3A_105] : memref<320160xi32, #tpu.memory_space<hbm>> -> memref<80xi32, #tpu.memory_space<hbm>>
        %dma_wait3A_147 = tpu.memref_slice %arg5[%multiple_of3A_105] : memref<320160xi32, #tpu.memory_space<hbm>> -> memref<80xi32, #tpu.memory_space<hbm>>
        tpu.wait_dma2 semaphore(%run_scoped3A : memref<!tpu.dma_semaphore, #tpu.memory_space<semaphore_mem>>) src(%dma_wait3A_147 : memref<80xi32, #tpu.memory_space<hbm>>) dst(%arg29 : memref<80xi32, #tpu.memory_space<vmem>>)
        tpu.yield
      }) : () -> ()
      "tpu.region"() ({
        %run_scoped3A = tpu.sem_alloc : memref<!tpu.dma_semaphore, #tpu.memory_space<semaphore_mem>>
        %dma_start3A_144 = tpu.memref_slice %arg6[%multiple_of3A_105] : memref<320160xi32, #tpu.memory_space<hbm>> -> memref<80xi32, #tpu.memory_space<hbm>>
        %dma_start3A_145 = tpu.memref_slice %arg6[%multiple_of3A_105] : memref<320160xi32, #tpu.memory_space<hbm>> -> memref<80xi32, #tpu.memory_space<hbm>>
        tpu.enqueue_dma source(%dma_start3A_145 : memref<80xi32, #tpu.memory_space<hbm>>) target(%arg30 : memref<80xi32, #tpu.memory_space<vmem>>) target_semaphore(%run_scoped3A : memref<!tpu.dma_semaphore, #tpu.memory_space<semaphore_mem>>)
        %dma_wait3A_146 = tpu.memref_slice %arg6[%multiple_of3A_105] : memref<320160xi32, #tpu.memory_space<hbm>> -> memref<80xi32, #tpu.memory_space<hbm>>
        %dma_wait3A_147 = tpu.memref_slice %arg6[%multiple_of3A_105] : memref<320160xi32, #tpu.memory_space<hbm>> -> memref<80xi32, #tpu.memory_space<hbm>>
        tpu.wait_dma2 semaphore(%run_scoped3A : memref<!tpu.dma_semaphore, #tpu.memory_space<semaphore_mem>>) src(%dma_wait3A_147 : memref<80xi32, #tpu.memory_space<hbm>>) dst(%arg30 : memref<80xi32, #tpu.memory_space<vmem>>)
        tpu.yield
      }) : () -> ()
      "tpu.region"() ({
        %run_scoped3A = tpu.sem_alloc : memref<!tpu.dma_semaphore, #tpu.memory_space<semaphore_mem>>
        %dma_start3A_144 = tpu.memref_slice %arg7[%multiple_of3A_105] : memref<320160xi32, #tpu.memory_space<hbm>> -> memref<80xi32, #tpu.memory_space<hbm>>
        %dma_start3A_145 = tpu.memref_slice %arg7[%multiple_of3A_105] : memref<320160xi32, #tpu.memory_space<hbm>> -> memref<80xi32, #tpu.memory_space<hbm>>
        tpu.enqueue_dma source(%dma_start3A_145 : memref<80xi32, #tpu.memory_space<hbm>>) target(%arg31 : memref<80xi32, #tpu.memory_space<vmem>>) target_semaphore(%run_scoped3A : memref<!tpu.dma_semaphore, #tpu.memory_space<semaphore_mem>>)
        %dma_wait3A_146 = tpu.memref_slice %arg7[%multiple_of3A_105] : memref<320160xi32, #tpu.memory_space<hbm>> -> memref<80xi32, #tpu.memory_space<hbm>>
        %dma_wait3A_147 = tpu.memref_slice %arg7[%multiple_of3A_105] : memref<320160xi32, #tpu.memory_space<hbm>> -> memref<80xi32, #tpu.memory_space<hbm>>
        tpu.wait_dma2 semaphore(%run_scoped3A : memref<!tpu.dma_semaphore, #tpu.memory_space<semaphore_mem>>) src(%dma_wait3A_147 : memref<80xi32, #tpu.memory_space<hbm>>) dst(%arg31 : memref<80xi32, #tpu.memory_space<vmem>>)
        tpu.yield
      }) : () -> ()
      "tpu.region"() ({
        %run_scoped3A = tpu.sem_alloc : memref<!tpu.dma_semaphore, #tpu.memory_space<semaphore_mem>>
        %dma_start3A_144 = tpu.memref_slice %arg8[%multiple_of3A_105] : memref<320160xi32, #tpu.memory_space<hbm>> -> memref<80xi32, #tpu.memory_space<hbm>>
        %dma_start3A_145 = tpu.memref_slice %arg8[%multiple_of3A_105] : memref<320160xi32, #tpu.memory_space<hbm>> -> memref<80xi32, #tpu.memory_space<hbm>>
        tpu.enqueue_dma source(%dma_start3A_145 : memref<80xi32, #tpu.memory_space<hbm>>) target(%arg32 : memref<80xi32, #tpu.memory_space<vmem>>) target_semaphore(%run_scoped3A : memref<!tpu.dma_semaphore, #tpu.memory_space<semaphore_mem>>)
        %dma_wait3A_146 = tpu.memref_slice %arg8[%multiple_of3A_105] : memref<320160xi32, #tpu.memory_space<hbm>> -> memref<80xi32, #tpu.memory_space<hbm>>
        %dma_wait3A_147 = tpu.memref_slice %arg8[%multiple_of3A_105] : memref<320160xi32, #tpu.memory_space<hbm>> -> memref<80xi32, #tpu.memory_space<hbm>>
        tpu.wait_dma2 semaphore(%run_scoped3A : memref<!tpu.dma_semaphore, #tpu.memory_space<semaphore_mem>>) src(%dma_wait3A_147 : memref<80xi32, #tpu.memory_space<hbm>>) dst(%arg32 : memref<80xi32, #tpu.memory_space<vmem>>)
        tpu.yield
      }) : () -> ()
      "tpu.region"() ({
        %run_scoped3A = tpu.sem_alloc : memref<!tpu.dma_semaphore, #tpu.memory_space<semaphore_mem>>
        %dma_start3A_144 = tpu.memref_slice %arg9[%multiple_of3A_105] : memref<320160xi32, #tpu.memory_space<hbm>> -> memref<80xi32, #tpu.memory_space<hbm>>
        %dma_start3A_145 = tpu.memref_slice %arg9[%multiple_of3A_105] : memref<320160xi32, #tpu.memory_space<hbm>> -> memref<80xi32, #tpu.memory_space<hbm>>
        tpu.enqueue_dma source(%dma_start3A_145 : memref<80xi32, #tpu.memory_space<hbm>>) target(%arg33 : memref<80xi32, #tpu.memory_space<vmem>>) target_semaphore(%run_scoped3A : memref<!tpu.dma_semaphore, #tpu.memory_space<semaphore_mem>>)
        %dma_wait3A_146 = tpu.memref_slice %arg9[%multiple_of3A_105] : memref<320160xi32, #tpu.memory_space<hbm>> -> memref<80xi32, #tpu.memory_space<hbm>>
        %dma_wait3A_147 = tpu.memref_slice %arg9[%multiple_of3A_105] : memref<320160xi32, #tpu.memory_space<hbm>> -> memref<80xi32, #tpu.memory_space<hbm>>
        tpu.wait_dma2 semaphore(%run_scoped3A : memref<!tpu.dma_semaphore, #tpu.memory_space<semaphore_mem>>) src(%dma_wait3A_147 : memref<80xi32, #tpu.memory_space<hbm>>) dst(%arg33 : memref<80xi32, #tpu.memory_space<vmem>>)
        tpu.yield
      }) : () -> ()
      %scan3A_106 = arith.constant 0 : i32
      %scan3A_107 = arith.constant 0 : i32
      %scan3A_108 = arith.constant 5 : i32
      %scan3A_109 = arith.addi %scan3A_107, %scan3A_108 : i32
      %scan3A_110 = arith.constant 1 : i32
      scf.for %scan3A_144 = %scan3A_107 to %scan3A_109 step %scan3A_110  : i32 {
        %mul3A_145 = arith.constant 16 : i32
        %mul3A_146 = arith.muli %scan3A_144, %mul3A_145 : i32
        %get3A_147 = arith.index_cast %mul3A_146 : i32 to index
        %get3A_148 = tpu.vector_load %arg29[%get3A_147] {strides = array<i32>} : memref<80xi32, #tpu.memory_space<vmem>>, vector<16xi32>,
        %gather3A = tpu.vector_load_idx %arg15[%get3A_148] : memref<10000xi32, #tpu.memory_space<vmem>>[vector<16xi32>], vector<16xi32>,
        %gather3A_149 = tpu.vector_load_idx %arg16[%get3A_148] : memref<10000xi32, #tpu.memory_space<vmem>>[vector<16xi32>], vector<16xi32>,
        %get3A_150 = arith.index_cast %mul3A_146 : i32 to index
        %get3A_151 = tpu.vector_load %arg31[%get3A_150] {strides = array<i32>} : memref<80xi32, #tpu.memory_space<vmem>>, vector<16xi32>,
        %ge3A = arith.constant 0 : i32
        %ge3A_152 = vector.broadcast %ge3A : i32 to vector<16xi32>
        %ge3A_153 = arith.cmpi sge, %get3A_151, %ge3A_152 : vector<16xi32>
        %select_n3A = arith.select %ge3A_153, %get3A_151, %gather3A_149 : vector<16xi1>, vector<16xi32>
        %sub3A = arith.subi %select_n3A, %gather3A_149 : vector<16xi32>
        %add3A_154 = arith.constant 366 : i32
        %add3A_155 = vector.broadcast %add3A_154 : i32 to vector<16xi32>
        %add3A_156 = arith.addi %sub3A, %add3A_155 : vector<16xi32>
        %jit3A = arith.constant 0 : i32
        %jit3A_157 = arith.constant 10367 : i32
        %max3A = vector.broadcast %jit3A : i32 to vector<16xi32>
        %max3A_158 = arith.maxsi %max3A, %add3A_156 : vector<16xi32>
        %min3A = vector.broadcast %jit3A_157 : i32 to vector<16xi32>
        %min3A_159 = arith.minsi %min3A, %max3A_158 : vector<16xi32>
        %get3A_160 = arith.index_cast %mul3A_146 : i32 to index
        %get3A_161 = tpu.vector_load %arg33[%get3A_160] {strides = array<i32>} : memref<80xi32, #tpu.memory_space<vmem>>, vector<16xi32>,
        %jit3A_162 = arith.constant 0 : i32
        %jit3A_163 = arith.constant 9999 : i32
        %max3A_164 = vector.broadcast %jit3A_162 : i32 to vector<16xi32>
        %max3A_165 = arith.maxsi %max3A_164, %get3A_161 : vector<16xi32>
        %min3A_166 = vector.broadcast %jit3A_163 : i32 to vector<16xi32>
        %min3A_167 = arith.minsi %min3A_166, %max3A_165 : vector<16xi32>
        %get3A_168 = arith.index_cast %mul3A_146 : i32 to index
        %get3A_169 = tpu.vector_load %arg32[%get3A_168] {strides = array<i32>} : memref<80xi32, #tpu.memory_space<vmem>>, vector<16xi32>,
        %add3A_170 = vector.broadcast %mul3A_31 : i32 to vector<16xi32>
        %add3A_171 = arith.addi %get3A_169, %add3A_170 : vector<16xi32>
        %swap3A = arith.index_cast %mul3A_146 : i32 to index
        %swap3A_172 = tpu.vector_load %arg32[%swap3A] {strides = array<i32>} : memref<80xi32, #tpu.memory_space<vmem>>, vector<16xi32>,
        tpu.vector_store %arg32[%swap3A], %add3A_171 {strides = array<i32>} : memref<80xi32, #tpu.memory_space<vmem>>, vector<16xi32>,
        %get3A_173 = arith.index_cast %mul3A_146 : i32 to index
        %get3A_174 = tpu.vector_load %arg30[%get3A_173] {strides = array<i32>} : memref<80xi32, #tpu.memory_space<vmem>>, vector<16xi32>,
        %add3A_175 = vector.broadcast %mul3A_31 : i32 to vector<16xi32>
        %add3A_176 = arith.addi %get3A_174, %add3A_175 : vector<16xi32>
        %swap3A_177 = arith.index_cast %mul3A_146 : i32 to index
        %swap3A_178 = tpu.vector_load %arg30[%swap3A_177] {strides = array<i32>} : memref<80xi32, #tpu.memory_space<vmem>>, vector<16xi32>,
        tpu.vector_store %arg30[%swap3A_177], %add3A_176 {strides = array<i32>} : memref<80xi32, #tpu.memory_space<vmem>>, vector<16xi32>,
        %swap3A_179 = arith.index_cast %mul3A_146 : i32 to index
        %swap3A_180 = tpu.vector_load %arg34[%swap3A_179] {strides = array<i32>} : memref<80xi32, #tpu.memory_space<vmem>>, vector<16xi32>,
        tpu.vector_store %arg34[%swap3A_179], %gather3A {strides = array<i32>} : memref<80xi32, #tpu.memory_space<vmem>>, vector<16xi32>,
        %add3A_181 = vector.broadcast %mul3A_33 : i32 to vector<16xi32>
        %add3A_182 = arith.addi %min3A_159, %add3A_181 : vector<16xi32>
        %swap3A_183 = arith.index_cast %mul3A_146 : i32 to index
        %swap3A_184 = tpu.vector_load %arg35[%swap3A_183] {strides = array<i32>} : memref<80xi32, #tpu.memory_space<vmem>>, vector<16xi32>,
        tpu.vector_store %arg35[%swap3A_183], %add3A_182 {strides = array<i32>} : memref<80xi32, #tpu.memory_space<vmem>>, vector<16xi32>,
        %swap3A_185 = arith.index_cast %mul3A_146 : i32 to index
        %swap3A_186 = tpu.vector_load %arg33[%swap3A_185] {strides = array<i32>} : memref<80xi32, #tpu.memory_space<vmem>>, vector<16xi32>,
        tpu.vector_store %arg33[%swap3A_185], %min3A_167 {strides = array<i32>} : memref<80xi32, #tpu.memory_space<vmem>>, vector<16xi32>,
      }
      %scan3A_111 = arith.constant 5 : i32
      %dma_start3A_112 = arith.constant 0 : i32
      %dma_start3A_113 = arith.constant 0 : i32
      %dma_start3A_114 = tpu.memref_slice %arg10[%dma_start3A_112, %dma_start3A_113] : memref<20480x96xf32, #tpu.memory_space<hbm>> -> memref<20480x96xf32, #tpu.memory_space<hbm>>
      tpu.enqueue_indirect_dma source(%dma_start3A_114 : memref<20480x96xf32, #tpu.memory_space<hbm>>) target(%arg36 : memref<80x96xf32, #tpu.memory_space<vmem>>) offsets(%arg32 : memref<80xi32, #tpu.memory_space<vmem>>) semaphore(%arg43 : memref<!tpu.dma_semaphore, #tpu.memory_space<semaphore_mem>>)
      %dma_start3A_115 = arith.constant 0 : i32
      %dma_start3A_116 = arith.constant 0 : i32
      %dma_start3A_117 = tpu.memref_slice %arg11[%dma_start3A_115, %dma_start3A_116] : memref<20480x96xf32, #tpu.memory_space<hbm>> -> memref<20480x96xf32, #tpu.memory_space<hbm>>
      tpu.enqueue_indirect_dma source(%dma_start3A_117 : memref<20480x96xf32, #tpu.memory_space<hbm>>) target(%arg37 : memref<80x96xf32, #tpu.memory_space<vmem>>) offsets(%arg30 : memref<80xi32, #tpu.memory_space<vmem>>) semaphore(%arg43 : memref<!tpu.dma_semaphore, #tpu.memory_space<semaphore_mem>>)
      %dma_start3A_118 = arith.constant 0 : i32
      %dma_start3A_119 = arith.constant 0 : i32
      %dma_start3A_120 = tpu.memref_slice %arg12[%dma_start3A_118, %dma_start3A_119] : memref<20736x96xf32, #tpu.memory_space<hbm>> -> memref<20736x96xf32, #tpu.memory_space<hbm>>
      tpu.enqueue_indirect_dma source(%dma_start3A_120 : memref<20736x96xf32, #tpu.memory_space<hbm>>) target(%arg38 : memref<80x96xf32, #tpu.memory_space<vmem>>) offsets(%arg35 : memref<80xi32, #tpu.memory_space<vmem>>) semaphore(%arg43 : memref<!tpu.dma_semaphore, #tpu.memory_space<semaphore_mem>>)
      %dma_start3A_121 = arith.constant 0 : i32
      %dma_start3A_122 = arith.constant 0 : i32
      %dma_start3A_123 = tpu.memref_slice %arg13[%dma_start3A_121, %dma_start3A_122] : memref<10240x32xf32, #tpu.memory_space<hbm>> -> memref<10240x32xf32, #tpu.memory_space<hbm>>
      tpu.enqueue_indirect_dma source(%dma_start3A_123 : memref<10240x32xf32, #tpu.memory_space<hbm>>) target(%arg39 : memref<80x32xf32, #tpu.memory_space<vmem>>) offsets(%arg34 : memref<80xi32, #tpu.memory_space<vmem>>) semaphore(%arg43 : memref<!tpu.dma_semaphore, #tpu.memory_space<semaphore_mem>>)
      %dma_wait3A_124 = arith.constant 0 : i32
      %dma_wait3A_125 = arith.constant 0 : i32
      %dma_wait3A_126 = tpu.memref_slice %arg10[%dma_wait3A_124, %dma_wait3A_125] : memref<20480x96xf32, #tpu.memory_space<hbm>> -> memref<20480x96xf32, #tpu.memory_space<hbm>>
      tpu.wait_indirect_dma semaphore(%arg43 : memref<!tpu.dma_semaphore, #tpu.memory_space<semaphore_mem>>) src(%dma_wait3A_126 : memref<20480x96xf32, #tpu.memory_space<hbm>>) dst(%arg36 : memref<80x96xf32, #tpu.memory_space<vmem>>)
      %dma_wait3A_127 = arith.constant 0 : i32
      %dma_wait3A_128 = arith.constant 0 : i32
      %dma_wait3A_129 = tpu.memref_slice %arg11[%dma_wait3A_127, %dma_wait3A_128] : memref<20480x96xf32, #tpu.memory_space<hbm>> -> memref<20480x96xf32, #tpu.memory_space<hbm>>
      tpu.wait_indirect_dma semaphore(%arg43 : memref<!tpu.dma_semaphore, #tpu.memory_space<semaphore_mem>>) src(%dma_wait3A_129 : memref<20480x96xf32, #tpu.memory_space<hbm>>) dst(%arg37 : memref<80x96xf32, #tpu.memory_space<vmem>>)
      %dma_wait3A_130 = arith.constant 0 : i32
      %dma_wait3A_131 = arith.constant 0 : i32
      %dma_wait3A_132 = tpu.memref_slice %arg12[%dma_wait3A_130, %dma_wait3A_131] : memref<20736x96xf32, #tpu.memory_space<hbm>> -> memref<20736x96xf32, #tpu.memory_space<hbm>>
      tpu.wait_indirect_dma semaphore(%arg43 : memref<!tpu.dma_semaphore, #tpu.memory_space<semaphore_mem>>) src(%dma_wait3A_132 : memref<20736x96xf32, #tpu.memory_space<hbm>>) dst(%arg38 : memref<80x96xf32, #tpu.memory_space<vmem>>)
      %dma_wait3A_133 = arith.constant 0 : i32
      %dma_wait3A_134 = arith.constant 0 : i32
      %dma_wait3A_135 = tpu.memref_slice %arg13[%dma_wait3A_133, %dma_wait3A_134] : memref<10240x32xf32, #tpu.memory_space<hbm>> -> memref<10240x32xf32, #tpu.memory_space<hbm>>
      tpu.wait_indirect_dma semaphore(%arg43 : memref<!tpu.dma_semaphore, #tpu.memory_space<semaphore_mem>>) src(%dma_wait3A_135 : memref<10240x32xf32, #tpu.memory_space<hbm>>) dst(%arg39 : memref<80x32xf32, #tpu.memory_space<vmem>>)
      %add3A_136 = arith.constant 2 : i32
      %add3A_137 = arith.addi %mul3A_88, %add3A_136 : i32
      %lt3A = arith.constant 250 : i32
      %lt3A_138 = arith.cmpi slt, %add3A_137, %lt3A : i32
      %convert_element_type3A_139 = arith.extui %lt3A_138 : i1 to i32
      %cond3A_140 = arith.constant 0 : i32
      %cond3A_141 = arith.cmpi ne, %convert_element_type3A_139, %cond3A_140 : i32
      scf.if %cond3A_141 {
        %add3A_144 = arith.constant 2 : i32
        %add3A_145 = arith.addi %mul3A_88, %add3A_144 : i32
        %mul3A_146 = arith.constant 80 : i32
        %mul3A_147 = arith.muli %add3A_145, %mul3A_146 : i32
        %add3A_148 = arith.addi %mul3A_29, %mul3A_147 : i32
        %multiple_of3A_149 = tpu.assume_multiple %add3A_148, 8 : i32
        "tpu.region"() ({
          %run_scoped3A = tpu.sem_alloc : memref<!tpu.dma_semaphore, #tpu.memory_space<semaphore_mem>>
          %dma_start3A_168 = tpu.memref_slice %arg5[%multiple_of3A_149] : memref<320160xi32, #tpu.memory_space<hbm>> -> memref<80xi32, #tpu.memory_space<hbm>>
          %dma_start3A_169 = tpu.memref_slice %arg5[%multiple_of3A_149] : memref<320160xi32, #tpu.memory_space<hbm>> -> memref<80xi32, #tpu.memory_space<hbm>>
          tpu.enqueue_dma source(%dma_start3A_169 : memref<80xi32, #tpu.memory_space<hbm>>) target(%arg18 : memref<80xi32, #tpu.memory_space<vmem>>) target_semaphore(%run_scoped3A : memref<!tpu.dma_semaphore, #tpu.memory_space<semaphore_mem>>)
          %dma_wait3A_170 = tpu.memref_slice %arg5[%multiple_of3A_149] : memref<320160xi32, #tpu.memory_space<hbm>> -> memref<80xi32, #tpu.memory_space<hbm>>
          %dma_wait3A_171 = tpu.memref_slice %arg5[%multiple_of3A_149] : memref<320160xi32, #tpu.memory_space<hbm>> -> memref<80xi32, #tpu.memory_space<hbm>>
          tpu.wait_dma2 semaphore(%run_scoped3A : memref<!tpu.dma_semaphore, #tpu.memory_space<semaphore_mem>>) src(%dma_wait3A_171 : memref<80xi32, #tpu.memory_space<hbm>>) dst(%arg18 : memref<80xi32, #tpu.memory_space<vmem>>)
          tpu.yield
        }) : () -> ()
        "tpu.region"() ({
          %run_scoped3A = tpu.sem_alloc : memref<!tpu.dma_semaphore, #tpu.memory_space<semaphore_mem>>
          %dma_start3A_168 = tpu.memref_slice %arg6[%multiple_of3A_149] : memref<320160xi32, #tpu.memory_space<hbm>> -> memref<80xi32, #tpu.memory_space<hbm>>
          %dma_start3A_169 = tpu.memref_slice %arg6[%multiple_of3A_149] : memref<320160xi32, #tpu.memory_space<hbm>> -> memref<80xi32, #tpu.memory_space<hbm>>
          tpu.enqueue_dma source(%dma_start3A_169 : memref<80xi32, #tpu.memory_space<hbm>>) target(%arg19 : memref<80xi32, #tpu.memory_space<vmem>>) target_semaphore(%run_scoped3A : memref<!tpu.dma_semaphore, #tpu.memory_space<semaphore_mem>>)
          %dma_wait3A_170 = tpu.memref_slice %arg6[%multiple_of3A_149] : memref<320160xi32, #tpu.memory_space<hbm>> -> memref<80xi32, #tpu.memory_space<hbm>>
          %dma_wait3A_171 = tpu.memref_slice %arg6[%multiple_of3A_149] : memref<320160xi32, #tpu.memory_space<hbm>> -> memref<80xi32, #tpu.memory_space<hbm>>
          tpu.wait_dma2 semaphore(%run_scoped3A : memref<!tpu.dma_semaphore, #tpu.memory_space<semaphore_mem>>) src(%dma_wait3A_171 : memref<80xi32, #tpu.memory_space<hbm>>) dst(%arg19 : memref<80xi32, #tpu.memory_space<vmem>>)
          tpu.yield
        }) : () -> ()
        "tpu.region"() ({
          %run_scoped3A = tpu.sem_alloc : memref<!tpu.dma_semaphore, #tpu.memory_space<semaphore_mem>>
          %dma_start3A_168 = tpu.memref_slice %arg7[%multiple_of3A_149] : memref<320160xi32, #tpu.memory_space<hbm>> -> memref<80xi32, #tpu.memory_space<hbm>>
          %dma_start3A_169 = tpu.memref_slice %arg7[%multiple_of3A_149] : memref<320160xi32, #tpu.memory_space<hbm>> -> memref<80xi32, #tpu.memory_space<hbm>>
          tpu.enqueue_dma source(%dma_start3A_169 : memref<80xi32, #tpu.memory_space<hbm>>) target(%arg20 : memref<80xi32, #tpu.memory_space<vmem>>) target_semaphore(%run_scoped3A : memref<!tpu.dma_semaphore, #tpu.memory_space<semaphore_mem>>)
          %dma_wait3A_170 = tpu.memref_slice %arg7[%multiple_of3A_149] : memref<320160xi32, #tpu.memory_space<hbm>> -> memref<80xi32, #tpu.memory_space<hbm>>
          %dma_wait3A_171 = tpu.memref_slice %arg7[%multiple_of3A_149] : memref<320160xi32, #tpu.memory_space<hbm>> -> memref<80xi32, #tpu.memory_space<hbm>>
          tpu.wait_dma2 semaphore(%run_scoped3A : memref<!tpu.dma_semaphore, #tpu.memory_space<semaphore_mem>>) src(%dma_wait3A_171 : memref<80xi32, #tpu.memory_space<hbm>>) dst(%arg20 : memref<80xi32, #tpu.memory_space<vmem>>)
          tpu.yield
        }) : () -> ()
        "tpu.region"() ({
          %run_scoped3A = tpu.sem_alloc : memref<!tpu.dma_semaphore, #tpu.memory_space<semaphore_mem>>
          %dma_start3A_168 = tpu.memref_slice %arg8[%multiple_of3A_149] : memref<320160xi32, #tpu.memory_space<hbm>> -> memref<80xi32, #tpu.memory_space<hbm>>
          %dma_start3A_169 = tpu.memref_slice %arg8[%multiple_of3A_149] : memref<320160xi32, #tpu.memory_space<hbm>> -> memref<80xi32, #tpu.memory_space<hbm>>
          tpu.enqueue_dma source(%dma_start3A_169 : memref<80xi32, #tpu.memory_space<hbm>>) target(%arg21 : memref<80xi32, #tpu.memory_space<vmem>>) target_semaphore(%run_scoped3A : memref<!tpu.dma_semaphore, #tpu.memory_space<semaphore_mem>>)
          %dma_wait3A_170 = tpu.memref_slice %arg8[%multiple_of3A_149] : memref<320160xi32, #tpu.memory_space<hbm>> -> memref<80xi32, #tpu.memory_space<hbm>>
          %dma_wait3A_171 = tpu.memref_slice %arg8[%multiple_of3A_149] : memref<320160xi32, #tpu.memory_space<hbm>> -> memref<80xi32, #tpu.memory_space<hbm>>
          tpu.wait_dma2 semaphore(%run_scoped3A : memref<!tpu.dma_semaphore, #tpu.memory_space<semaphore_mem>>) src(%dma_wait3A_171 : memref<80xi32, #tpu.memory_space<hbm>>) dst(%arg21 : memref<80xi32, #tpu.memory_space<vmem>>)
          tpu.yield
        }) : () -> ()
        "tpu.region"() ({
          %run_scoped3A = tpu.sem_alloc : memref<!tpu.dma_semaphore, #tpu.memory_space<semaphore_mem>>
          %dma_start3A_168 = tpu.memref_slice %arg9[%multiple_of3A_149] : memref<320160xi32, #tpu.memory_space<hbm>> -> memref<80xi32, #tpu.memory_space<hbm>>
          %dma_start3A_169 = tpu.memref_slice %arg9[%multiple_of3A_149] : memref<320160xi32, #tpu.memory_space<hbm>> -> memref<80xi32, #tpu.memory_space<hbm>>
          tpu.enqueue_dma source(%dma_start3A_169 : memref<80xi32, #tpu.memory_space<hbm>>) target(%arg22 : memref<80xi32, #tpu.memory_space<vmem>>) target_semaphore(%run_scoped3A : memref<!tpu.dma_semaphore, #tpu.memory_space<semaphore_mem>>)
          %dma_wait3A_170 = tpu.memref_slice %arg9[%multiple_of3A_149] : memref<320160xi32, #tpu.memory_space<hbm>> -> memref<80xi32, #tpu.memory_space<hbm>>
          %dma_wait3A_171 = tpu.memref_slice %arg9[%multiple_of3A_149] : memref<320160xi32, #tpu.memory_space<hbm>> -> memref<80xi32, #tpu.memory_space<hbm>>
          tpu.wait_dma2 semaphore(%run_scoped3A : memref<!tpu.dma_semaphore, #tpu.memory_space<semaphore_mem>>) src(%dma_wait3A_171 : memref<80xi32, #tpu.memory_space<hbm>>) dst(%arg22 : memref<80xi32, #tpu.memory_space<vmem>>)
          tpu.yield
        }) : () -> ()
        %scan3A_150 = arith.constant 0 : i32
        %scan3A_151 = arith.constant 0 : i32
        %scan3A_152 = arith.constant 5 : i32
        %scan3A_153 = arith.addi %scan3A_151, %scan3A_152 : i32
        %scan3A_154 = arith.constant 1 : i32
        scf.for %scan3A_168 = %scan3A_151 to %scan3A_153 step %scan3A_154  : i32 {
          %mul3A_169 = arith.constant 16 : i32
          %mul3A_170 = arith.muli %scan3A_168, %mul3A_169 : i32
          %get3A_171 = arith.index_cast %mul3A_170 : i32 to index
          %get3A_172 = tpu.vector_load %arg18[%get3A_171] {strides = array<i32>} : memref<80xi32, #tpu.memory_space<vmem>>, vector<16xi32>,
          %gather3A = tpu.vector_load_idx %arg15[%get3A_172] : memref<10000xi32, #tpu.memory_space<vmem>>[vector<16xi32>], vector<16xi32>,
          %gather3A_173 = tpu.vector_load_idx %arg16[%get3A_172] : memref<10000xi32, #tpu.memory_space<vmem>>[vector<16xi32>], vector<16xi32>,
          %get3A_174 = arith.index_cast %mul3A_170 : i32 to index
          %get3A_175 = tpu.vector_load %arg20[%get3A_174] {strides = array<i32>} : memref<80xi32, #tpu.memory_space<vmem>>, vector<16xi32>,
          %ge3A = arith.constant 0 : i32
          %ge3A_176 = vector.broadcast %ge3A : i32 to vector<16xi32>
          %ge3A_177 = arith.cmpi sge, %get3A_175, %ge3A_176 : vector<16xi32>
          %select_n3A = arith.select %ge3A_177, %get3A_175, %gather3A_173 : vector<16xi1>, vector<16xi32>
          %sub3A = arith.subi %select_n3A, %gather3A_173 : vector<16xi32>
          %add3A_178 = arith.constant 366 : i32
          %add3A_179 = vector.broadcast %add3A_178 : i32 to vector<16xi32>
          %add3A_180 = arith.addi %sub3A, %add3A_179 : vector<16xi32>
          %jit3A = arith.constant 0 : i32
          %jit3A_181 = arith.constant 10367 : i32
          %max3A = vector.broadcast %jit3A : i32 to vector<16xi32>
          %max3A_182 = arith.maxsi %max3A, %add3A_180 : vector<16xi32>
          %min3A = vector.broadcast %jit3A_181 : i32 to vector<16xi32>
          %min3A_183 = arith.minsi %min3A, %max3A_182 : vector<16xi32>
          %get3A_184 = arith.index_cast %mul3A_170 : i32 to index
          %get3A_185 = tpu.vector_load %arg22[%get3A_184] {strides = array<i32>} : memref<80xi32, #tpu.memory_space<vmem>>, vector<16xi32>,
          %jit3A_186 = arith.constant 0 : i32
          %jit3A_187 = arith.constant 9999 : i32
          %max3A_188 = vector.broadcast %jit3A_186 : i32 to vector<16xi32>
          %max3A_189 = arith.maxsi %max3A_188, %get3A_185 : vector<16xi32>
          %min3A_190 = vector.broadcast %jit3A_187 : i32 to vector<16xi32>
          %min3A_191 = arith.minsi %min3A_190, %max3A_189 : vector<16xi32>
          %get3A_192 = arith.index_cast %mul3A_170 : i32 to index
          %get3A_193 = tpu.vector_load %arg21[%get3A_192] {strides = array<i32>} : memref<80xi32, #tpu.memory_space<vmem>>, vector<16xi32>,
          %add3A_194 = vector.broadcast %mul3A_31 : i32 to vector<16xi32>
          %add3A_195 = arith.addi %get3A_193, %add3A_194 : vector<16xi32>
          %swap3A = arith.index_cast %mul3A_170 : i32 to index
          %swap3A_196 = tpu.vector_load %arg21[%swap3A] {strides = array<i32>} : memref<80xi32, #tpu.memory_space<vmem>>, vector<16xi32>,
          tpu.vector_store %arg21[%swap3A], %add3A_195 {strides = array<i32>} : memref<80xi32, #tpu.memory_space<vmem>>, vector<16xi32>,
          %get3A_197 = arith.index_cast %mul3A_170 : i32 to index
          %get3A_198 = tpu.vector_load %arg19[%get3A_197] {strides = array<i32>} : memref<80xi32, #tpu.memory_space<vmem>>, vector<16xi32>,
          %add3A_199 = vector.broadcast %mul3A_31 : i32 to vector<16xi32>
          %add3A_200 = arith.addi %get3A_198, %add3A_199 : vector<16xi32>
          %swap3A_201 = arith.index_cast %mul3A_170 : i32 to index
          %swap3A_202 = tpu.vector_load %arg19[%swap3A_201] {strides = array<i32>} : memref<80xi32, #tpu.memory_space<vmem>>, vector<16xi32>,
          tpu.vector_store %arg19[%swap3A_201], %add3A_200 {strides = array<i32>} : memref<80xi32, #tpu.memory_space<vmem>>, vector<16xi32>,
          %swap3A_203 = arith.index_cast %mul3A_170 : i32 to index
          %swap3A_204 = tpu.vector_load %arg23[%swap3A_203] {strides = array<i32>} : memref<80xi32, #tpu.memory_space<vmem>>, vector<16xi32>,
          tpu.vector_store %arg23[%swap3A_203], %gather3A {strides = array<i32>} : memref<80xi32, #tpu.memory_space<vmem>>, vector<16xi32>,
          %add3A_205 = vector.broadcast %mul3A_33 : i32 to vector<16xi32>
          %add3A_206 = arith.addi %min3A_183, %add3A_205 : vector<16xi32>
          %swap3A_207 = arith.index_cast %mul3A_170 : i32 to index
          %swap3A_208 = tpu.vector_load %arg24[%swap3A_207] {strides = array<i32>} : memref<80xi32, #tpu.memory_space<vmem>>, vector<16xi32>,
          tpu.vector_store %arg24[%swap3A_207], %add3A_206 {strides = array<i32>} : memref<80xi32, #tpu.memory_space<vmem>>, vector<16xi32>,
          %swap3A_209 = arith.index_cast %mul3A_170 : i32 to index
          %swap3A_210 = tpu.vector_load %arg22[%swap3A_209] {strides = array<i32>} : memref<80xi32, #tpu.memory_space<vmem>>, vector<16xi32>,
          tpu.vector_store %arg22[%swap3A_209], %min3A_191 {strides = array<i32>} : memref<80xi32, #tpu.memory_space<vmem>>, vector<16xi32>,
        }
        %scan3A_155 = arith.constant 5 : i32
        %dma_start3A_156 = arith.constant 0 : i32
        %dma_start3A_157 = arith.constant 0 : i32
        %dma_start3A_158 = tpu.memref_slice %arg10[%dma_start3A_156, %dma_start3A_157] : memref<20480x96xf32, #tpu.memory_space<hbm>> -> memref<20480x96xf32, #tpu.memory_space<hbm>>
        tpu.enqueue_indirect_dma source(%dma_start3A_158 : memref<20480x96xf32, #tpu.memory_space<hbm>>) target(%arg25 : memref<80x96xf32, #tpu.memory_space<vmem>>) offsets(%arg21 : memref<80xi32, #tpu.memory_space<vmem>>) semaphore(%arg42 : memref<!tpu.dma_semaphore, #tpu.memory_space<semaphore_mem>>)
        %dma_start3A_159 = arith.constant 0 : i32
        %dma_start3A_160 = arith.constant 0 : i32
        %dma_start3A_161 = tpu.memref_slice %arg11[%dma_start3A_159, %dma_start3A_160] : memref<20480x96xf32, #tpu.memory_space<hbm>> -> memref<20480x96xf32, #tpu.memory_space<hbm>>
        tpu.enqueue_indirect_dma source(%dma_start3A_161 : memref<20480x96xf32, #tpu.memory_space<hbm>>) target(%arg26 : memref<80x96xf32, #tpu.memory_space<vmem>>) offsets(%arg19 : memref<80xi32, #tpu.memory_space<vmem>>) semaphore(%arg42 : memref<!tpu.dma_semaphore, #tpu.memory_space<semaphore_mem>>)
        %dma_start3A_162 = arith.constant 0 : i32
        %dma_start3A_163 = arith.constant 0 : i32
        %dma_start3A_164 = tpu.memref_slice %arg12[%dma_start3A_162, %dma_start3A_163] : memref<20736x96xf32, #tpu.memory_space<hbm>> -> memref<20736x96xf32, #tpu.memory_space<hbm>>
        tpu.enqueue_indirect_dma source(%dma_start3A_164 : memref<20736x96xf32, #tpu.memory_space<hbm>>) target(%arg27 : memref<80x96xf32, #tpu.memory_space<vmem>>) offsets(%arg24 : memref<80xi32, #tpu.memory_space<vmem>>) semaphore(%arg42 : memref<!tpu.dma_semaphore, #tpu.memory_space<semaphore_mem>>)
        %dma_start3A_165 = arith.constant 0 : i32
        %dma_start3A_166 = arith.constant 0 : i32
        %dma_start3A_167 = tpu.memref_slice %arg13[%dma_start3A_165, %dma_start3A_166] : memref<10240x32xf32, #tpu.memory_space<hbm>> -> memref<10240x32xf32, #tpu.memory_space<hbm>>
        tpu.enqueue_indirect_dma source(%dma_start3A_167 : memref<10240x32xf32, #tpu.memory_space<hbm>>) target(%arg28 : memref<80x32xf32, #tpu.memory_space<vmem>>) offsets(%arg23 : memref<80xi32, #tpu.memory_space<vmem>>) semaphore(%arg42 : memref<!tpu.dma_semaphore, #tpu.memory_space<semaphore_mem>>)
      } else {
      }
      %add3A_142 = arith.constant 1 : i32
      %add3A_143 = arith.addi %mul3A_88, %add3A_142 : i32
    }
    %scan3A_69 = arith.constant 125 : i32
    %barrier3A_70 = arith.constant 0 : index
    tpu.barrier barrier_id(%barrier3A_70)
    %add3A_71 = arith.constant 0 : i32
    %add3A_72 = arith.addi %mul3A_5, %add3A_71 : i32
    "tpu.region"() ({
      %run_scoped3A = tpu.sem_alloc : memref<!tpu.dma_semaphore, #tpu.memory_space<semaphore_mem>>
      %dma_start3A_86 = arith.constant 0 : i32
      %dma_start3A_87 = tpu.memref_slice %arg14[%arg0, %add3A_72, %dma_start3A_86] : memref<2x10000x64xf32, #tpu.memory_space<hbm>> -> memref<1x128x64xf32, #tpu.memory_space<hbm>>
      %dma_start3A_88 = tpu.memref_squeeze %dma_start3A_87 : memref<1x128x64xf32, #tpu.memory_space<hbm>> -> memref<128x64xf32, #tpu.memory_space<hbm>>
      %dma_start3A_89 = arith.constant 0 : i32
      %dma_start3A_90 = tpu.memref_slice %arg41[%add3A_72, %dma_start3A_89] : memref<10000x64xf32, #tpu.memory_space<vmem_shared>> -> memref<128x64xf32, #tpu.memory_space<vmem_shared>>
      tpu.enqueue_dma source(%dma_start3A_90 : memref<128x64xf32, #tpu.memory_space<vmem_shared>>) target(%dma_start3A_88 : memref<128x64xf32, #tpu.memory_space<hbm>>) target_semaphore(%run_scoped3A : memref<!tpu.dma_semaphore, #tpu.memory_space<semaphore_mem>>)
      %dma_wait3A = arith.constant 0 : i32
      %dma_wait3A_91 = tpu.memref_slice %arg14[%arg0, %add3A_72, %dma_wait3A] : memref<2x10000x64xf32, #tpu.memory_space<hbm>> -> memref<1x128x64xf32, #tpu.memory_space<hbm>>
      %dma_wait3A_92 = tpu.memref_squeeze %dma_wait3A_91 : memref<1x128x64xf32, #tpu.memory_space<hbm>> -> memref<128x64xf32, #tpu.memory_space<hbm>>
      %dma_wait3A_93 = arith.constant 0 : i32
      %dma_wait3A_94 = tpu.memref_slice %arg41[%add3A_72, %dma_wait3A_93] : memref<10000x64xf32, #tpu.memory_space<vmem_shared>> -> memref<128x64xf32, #tpu.memory_space<vmem_shared>>
      tpu.wait_dma2 semaphore(%run_scoped3A : memref<!tpu.dma_semaphore, #tpu.memory_space<semaphore_mem>>) src(%dma_wait3A_94 : memref<128x64xf32, #tpu.memory_space<vmem_shared>>) dst(%dma_wait3A_92 : memref<128x64xf32, #tpu.memory_space<hbm>>)
      tpu.yield
    }) : () -> ()
    %add3A_73 = arith.constant 128 : i32
    %add3A_74 = arith.addi %mul3A_5, %add3A_73 : i32
    "tpu.region"() ({
      %run_scoped3A = tpu.sem_alloc : memref<!tpu.dma_semaphore, #tpu.memory_space<semaphore_mem>>
      %dma_start3A_86 = arith.constant 0 : i32
      %dma_start3A_87 = tpu.memref_slice %arg14[%arg0, %add3A_74, %dma_start3A_86] : memref<2x10000x64xf32, #tpu.memory_space<hbm>> -> memref<1x128x64xf32, #tpu.memory_space<hbm>>
      %dma_start3A_88 = tpu.memref_squeeze %dma_start3A_87 : memref<1x128x64xf32, #tpu.memory_space<hbm>> -> memref<128x64xf32, #tpu.memory_space<hbm>>
      %dma_start3A_89 = arith.constant 0 : i32
      %dma_start3A_90 = tpu.memref_slice %arg41[%add3A_74, %dma_start3A_89] : memref<10000x64xf32, #tpu.memory_space<vmem_shared>> -> memref<128x64xf32, #tpu.memory_space<vmem_shared>>
      tpu.enqueue_dma source(%dma_start3A_90 : memref<128x64xf32, #tpu.memory_space<vmem_shared>>) target(%dma_start3A_88 : memref<128x64xf32, #tpu.memory_space<hbm>>) target_semaphore(%run_scoped3A : memref<!tpu.dma_semaphore, #tpu.memory_space<semaphore_mem>>)
      %dma_wait3A = arith.constant 0 : i32
      %dma_wait3A_91 = tpu.memref_slice %arg14[%arg0, %add3A_74, %dma_wait3A] : memref<2x10000x64xf32, #tpu.memory_space<hbm>> -> memref<1x128x64xf32, #tpu.memory_space<hbm>>
      %dma_wait3A_92 = tpu.memref_squeeze %dma_wait3A_91 : memref<1x128x64xf32, #tpu.memory_space<hbm>> -> memref<128x64xf32, #tpu.memory_space<hbm>>
      %dma_wait3A_93 = arith.constant 0 : i32
      %dma_wait3A_94 = tpu.memref_slice %arg41[%add3A_74, %dma_wait3A_93] : memref<10000x64xf32, #tpu.memory_space<vmem_shared>> -> memref<128x64xf32, #tpu.memory_space<vmem_shared>>
      tpu.wait_dma2 semaphore(%run_scoped3A : memref<!tpu.dma_semaphore, #tpu.memory_space<semaphore_mem>>) src(%dma_wait3A_94 : memref<128x64xf32, #tpu.memory_space<vmem_shared>>) dst(%dma_wait3A_92 : memref<128x64xf32, #tpu.memory_space<hbm>>)
      tpu.yield
    }) : () -> ()
    %add3A_75 = arith.constant 256 : i32
    %add3A_76 = arith.addi %mul3A_5, %add3A_75 : i32
    "tpu.region"() ({
      %run_scoped3A = tpu.sem_alloc : memref<!tpu.dma_semaphore, #tpu.memory_space<semaphore_mem>>
      %dma_start3A_86 = arith.constant 0 : i32
      %dma_start3A_87 = tpu.memref_slice %arg14[%arg0, %add3A_76, %dma_start3A_86] : memref<2x10000x64xf32, #tpu.memory_space<hbm>> -> memref<1x128x64xf32, #tpu.memory_space<hbm>>
      %dma_start3A_88 = tpu.memref_squeeze %dma_start3A_87 : memref<1x128x64xf32, #tpu.memory_space<hbm>> -> memref<128x64xf32, #tpu.memory_space<hbm>>
      %dma_start3A_89 = arith.constant 0 : i32
      %dma_start3A_90 = tpu.memref_slice %arg41[%add3A_76, %dma_start3A_89] : memref<10000x64xf32, #tpu.memory_space<vmem_shared>> -> memref<128x64xf32, #tpu.memory_space<vmem_shared>>
      tpu.enqueue_dma source(%dma_start3A_90 : memref<128x64xf32, #tpu.memory_space<vmem_shared>>) target(%dma_start3A_88 : memref<128x64xf32, #tpu.memory_space<hbm>>) target_semaphore(%run_scoped3A : memref<!tpu.dma_semaphore, #tpu.memory_space<semaphore_mem>>)
      %dma_wait3A = arith.constant 0 : i32
      %dma_wait3A_91 = tpu.memref_slice %arg14[%arg0, %add3A_76, %dma_wait3A] : memref<2x10000x64xf32, #tpu.memory_space<hbm>> -> memref<1x128x64xf32, #tpu.memory_space<hbm>>
      %dma_wait3A_92 = tpu.memref_squeeze %dma_wait3A_91 : memref<1x128x64xf32, #tpu.memory_space<hbm>> -> memref<128x64xf32, #tpu.memory_space<hbm>>
      %dma_wait3A_93 = arith.constant 0 : i32
      %dma_wait3A_94 = tpu.memref_slice %arg41[%add3A_76, %dma_wait3A_93] : memref<10000x64xf32, #tpu.memory_space<vmem_shared>> -> memref<128x64xf32, #tpu.memory_space<vmem_shared>>
      tpu.wait_dma2 semaphore(%run_scoped3A : memref<!tpu.dma_semaphore, #tpu.memory_space<semaphore_mem>>) src(%dma_wait3A_94 : memref<128x64xf32, #tpu.memory_space<vmem_shared>>) dst(%dma_wait3A_92 : memref<128x64xf32, #tpu.memory_space<hbm>>)
      tpu.yield
    }) : () -> ()
    %add3A_77 = arith.constant 384 : i32
    %add3A_78 = arith.addi %mul3A_5, %add3A_77 : i32
    "tpu.region"() ({
      %run_scoped3A = tpu.sem_alloc : memref<!tpu.dma_semaphore, #tpu.memory_space<semaphore_mem>>
      %dma_start3A_86 = arith.constant 0 : i32
      %dma_start3A_87 = tpu.memref_slice %arg14[%arg0, %add3A_78, %dma_start3A_86] : memref<2x10000x64xf32, #tpu.memory_space<hbm>> -> memref<1x128x64xf32, #tpu.memory_space<hbm>>
      %dma_start3A_88 = tpu.memref_squeeze %dma_start3A_87 : memref<1x128x64xf32, #tpu.memory_space<hbm>> -> memref<128x64xf32, #tpu.memory_space<hbm>>
      %dma_start3A_89 = arith.constant 0 : i32
      %dma_start3A_90 = tpu.memref_slice %arg41[%add3A_78, %dma_start3A_89] : memref<10000x64xf32, #tpu.memory_space<vmem_shared>> -> memref<128x64xf32, #tpu.memory_space<vmem_shared>>
      tpu.enqueue_dma source(%dma_start3A_90 : memref<128x64xf32, #tpu.memory_space<vmem_shared>>) target(%dma_start3A_88 : memref<128x64xf32, #tpu.memory_space<hbm>>) target_semaphore(%run_scoped3A : memref<!tpu.dma_semaphore, #tpu.memory_space<semaphore_mem>>)
      %dma_wait3A = arith.constant 0 : i32
      %dma_wait3A_91 = tpu.memref_slice %arg14[%arg0, %add3A_78, %dma_wait3A] : memref<2x10000x64xf32, #tpu.memory_space<hbm>> -> memref<1x128x64xf32, #tpu.memory_space<hbm>>
      %dma_wait3A_92 = tpu.memref_squeeze %dma_wait3A_91 : memref<1x128x64xf32, #tpu.memory_space<hbm>> -> memref<128x64xf32, #tpu.memory_space<hbm>>
      %dma_wait3A_93 = arith.constant 0 : i32
      %dma_wait3A_94 = tpu.memref_slice %arg41[%add3A_78, %dma_wait3A_93] : memref<10000x64xf32, #tpu.memory_space<vmem_shared>> -> memref<128x64xf32, #tpu.memory_space<vmem_shared>>
      tpu.wait_dma2 semaphore(%run_scoped3A : memref<!tpu.dma_semaphore, #tpu.memory_space<semaphore_mem>>) src(%dma_wait3A_94 : memref<128x64xf32, #tpu.memory_space<vmem_shared>>) dst(%dma_wait3A_92 : memref<128x64xf32, #tpu.memory_space<hbm>>)
      tpu.yield
    }) : () -> ()
    %add3A_79 = arith.constant 512 : i32
    %add3A_80 = arith.addi %mul3A_5, %add3A_79 : i32
    "tpu.region"() ({
      %run_scoped3A = tpu.sem_alloc : memref<!tpu.dma_semaphore, #tpu.memory_space<semaphore_mem>>
      %dma_start3A_86 = arith.constant 0 : i32
      %dma_start3A_87 = tpu.memref_slice %arg14[%arg0, %add3A_80, %dma_start3A_86] : memref<2x10000x64xf32, #tpu.memory_space<hbm>> -> memref<1x112x64xf32, #tpu.memory_space<hbm>>
      %dma_start3A_88 = tpu.memref_squeeze %dma_start3A_87 : memref<1x112x64xf32, #tpu.memory_space<hbm>> -> memref<112x64xf32, #tpu.memory_space<hbm>>
      %dma_start3A_89 = arith.constant 0 : i32
      %dma_start3A_90 = tpu.memref_slice %arg41[%add3A_80, %dma_start3A_89] : memref<10000x64xf32, #tpu.memory_space<vmem_shared>> -> memref<112x64xf32, #tpu.memory_space<vmem_shared>>
      tpu.enqueue_dma source(%dma_start3A_90 : memref<112x64xf32, #tpu.memory_space<vmem_shared>>) target(%dma_start3A_88 : memref<112x64xf32, #tpu.memory_space<hbm>>) target_semaphore(%run_scoped3A : memref<!tpu.dma_semaphore, #tpu.memory_space<semaphore_mem>>)
      %dma_wait3A = arith.constant 0 : i32
      %dma_wait3A_91 = tpu.memref_slice %arg14[%arg0, %add3A_80, %dma_wait3A] : memref<2x10000x64xf32, #tpu.memory_space<hbm>> -> memref<1x112x64xf32, #tpu.memory_space<hbm>>
      %dma_wait3A_92 = tpu.memref_squeeze %dma_wait3A_91 : memref<1x112x64xf32, #tpu.memory_space<hbm>> -> memref<112x64xf32, #tpu.memory_space<hbm>>
      %dma_wait3A_93 = arith.constant 0 : i32
      %dma_wait3A_94 = tpu.memref_slice %arg41[%add3A_80, %dma_wait3A_93] : memref<10000x64xf32, #tpu.memory_space<vmem_shared>> -> memref<112x64xf32, #tpu.memory_space<vmem_shared>>
      tpu.wait_dma2 semaphore(%run_scoped3A : memref<!tpu.dma_semaphore, #tpu.memory_space<semaphore_mem>>) src(%dma_wait3A_94 : memref<112x64xf32, #tpu.memory_space<vmem_shared>>) dst(%dma_wait3A_92 : memref<112x64xf32, #tpu.memory_space<hbm>>)
      tpu.yield
    }) : () -> ()
    %eq3A_81 = arith.constant 15 : i32
    %eq3A_82 = arith.cmpi eq, %arg1, %eq3A_81 : i32
    %convert_element_type3A_83 = arith.extui %eq3A_82 : i1 to i32
    %cond3A_84 = arith.constant 0 : i32
    %cond3A_85 = arith.cmpi ne, %convert_element_type3A_83, %cond3A_84 : i32
    scf.if %cond3A_85 {
      "tpu.region"() ({
        %run_scoped3A = tpu.sem_alloc : memref<!tpu.dma_semaphore, #tpu.memory_space<semaphore_mem>>
        %dma_start3A_86 = arith.constant 9984 : i32
        %dma_start3A_87 = arith.constant 0 : i32
        %dma_start3A_88 = tpu.memref_slice %arg14[%arg0, %dma_start3A_86, %dma_start3A_87] : memref<2x10000x64xf32, #tpu.memory_space<hbm>> -> memref<1x16x64xf32, #tpu.memory_space<hbm>>
        %dma_start3A_89 = tpu.memref_squeeze %dma_start3A_88 : memref<1x16x64xf32, #tpu.memory_space<hbm>> -> memref<16x64xf32, #tpu.memory_space<hbm>>
        %dma_start3A_90 = arith.constant 9984 : i32
        %dma_start3A_91 = arith.constant 0 : i32
        %dma_start3A_92 = tpu.memref_slice %arg41[%dma_start3A_90, %dma_start3A_91] : memref<10000x64xf32, #tpu.memory_space<vmem_shared>> -> memref<16x64xf32, #tpu.memory_space<vmem_shared>>
        tpu.enqueue_dma source(%dma_start3A_92 : memref<16x64xf32, #tpu.memory_space<vmem_shared>>) target(%dma_start3A_89 : memref<16x64xf32, #tpu.memory_space<hbm>>) target_semaphore(%run_scoped3A : memref<!tpu.dma_semaphore, #tpu.memory_space<semaphore_mem>>)
        %dma_wait3A = arith.constant 9984 : i32
        %dma_wait3A_93 = arith.constant 0 : i32
        %dma_wait3A_94 = tpu.memref_slice %arg14[%arg0, %dma_wait3A, %dma_wait3A_93] : memref<2x10000x64xf32, #tpu.memory_space<hbm>> -> memref<1x16x64xf32, #tpu.memory_space<hbm>>
        %dma_wait3A_95 = tpu.memref_squeeze %dma_wait3A_94 : memref<1x16x64xf32, #tpu.memory_space<hbm>> -> memref<16x64xf32, #tpu.memory_space<hbm>>
        %dma_wait3A_96 = arith.constant 9984 : i32
        %dma_wait3A_97 = arith.constant 0 : i32
        %dma_wait3A_98 = tpu.memref_slice %arg41[%dma_wait3A_96, %dma_wait3A_97] : memref<10000x64xf32, #tpu.memory_space<vmem_shared>> -> memref<16x64xf32, #tpu.memory_space<vmem_shared>>
        tpu.wait_dma2 semaphore(%run_scoped3A : memref<!tpu.dma_semaphore, #tpu.memory_space<semaphore_mem>>) src(%dma_wait3A_98 : memref<16x64xf32, #tpu.memory_space<vmem_shared>>) dst(%dma_wait3A_95 : memref<16x64xf32, #tpu.memory_space<hbm>>)
        tpu.yield
      }) : () -> ()
    } else {
    }
    return
  }
}

module attributes {stable_mosaic.version = 14 : i64} {
  func.func @_node_table_body(%arg0: i32, %arg1: memref<512x64xf32, #tpu.memory_space<vmem>>, %arg2: memref<512x128xf32, #tpu.memory_space<vmem>>, %arg3: memref<128x32xf32, #tpu.memory_space<vmem>>, %arg4: memref<512x96xf32, #tpu.memory_space<vmem>>) attributes {dimension_semantics = [#tpu.dimension_semantics<arbitrary>], iteration_bounds = array<i64: 20>, scalar_prefetch = 0 : i64, scratch_operands = 0 : i64, tpu.core_type = #tpu.core_type<tc>, window_params = [{transform_indices = @transform_0, window_bounds = array<i64: 512, 64>}, {transform_indices = @transform_1, window_bounds = array<i64: 512, 128>}, {pipeline_mode = #tpu.pipeline_mode<synchronous>, transform_indices = @transform_2, window_bounds = array<i64: 128, 32>}, {transform_indices = @transform_3, window_bounds = array<i64: 512, 96>}]} {
    %get3A = arith.constant 0 : index
    %get3A_0 = arith.constant 0 : index
    %get3A_1 = vector.load %arg1[%get3A, %get3A_0] : memref<512x64xf32, #tpu.memory_space<vmem>>, vector<512x64xf32>
    %swap3A = arith.constant 0 : index
    %swap3A_2 = arith.constant 0 : index
    %swap3A_3 = vector.load %arg4[%swap3A, %swap3A_2] : memref<512x96xf32, #tpu.memory_space<vmem>>, vector<512x64xf32>
    tpu.vector_store %arg4[%swap3A, %swap3A_2], %get3A_1 {strides = array<i32>} : memref<512x96xf32, #tpu.memory_space<vmem>>, vector<512x64xf32>,
    %get3A_4 = arith.constant 0 : index
    %get3A_5 = arith.constant 0 : index
    %get3A_6 = vector.load %arg2[%get3A_4, %get3A_5] : memref<512x128xf32, #tpu.memory_space<vmem>>, vector<512x128xf32>
    %get3A_7 = arith.constant 0 : index
    %get3A_8 = arith.constant 0 : index
    %get3A_9 = vector.load %arg3[%get3A_7, %get3A_8] : memref<128x32xf32, #tpu.memory_space<vmem>>, vector<128x32xf32>
    %dot_general3A = arith.constant dense<0.000000e+00> : vector<512x32xf32>
    %dot_general3A_10 = tpu.matmul %get3A_6, %get3A_9, %dot_general3A {dimension_numbers = #tpu.dot_dimension_numbers<[1], [0], [0], [1], [0, 0, 1, 1], [], []>, precision = #tpu.contract_precision<fp32>, transpose_lhs_hint = false} : vector<512x128xf32>, vector<128x32xf32>, vector<512x32xf32> -> vector<512x32xf32>
    %swap3A_11 = arith.constant 0 : index
    %swap3A_12 = arith.constant 64 : index
    %swap3A_13 = vector.load %arg4[%swap3A_11, %swap3A_12] : memref<512x96xf32, #tpu.memory_space<vmem>>, vector<512x32xf32>
    tpu.vector_store %arg4[%swap3A_11, %swap3A_12], %dot_general3A_10 {strides = array<i32>} : memref<512x96xf32, #tpu.memory_space<vmem>>, vector<512x32xf32>,
    return
  }
  func.func @transform_0(%arg0: i32) -> (i32, i32) {
    %c0_i32 = arith.constant 0 : i32
    %c0_i32_0 = arith.constant 0 : i32
    return %arg0, %c0_i32 : i32, i32
  }
  func.func @transform_1(%arg0: i32) -> (i32, i32) {
    %c0_i32 = arith.constant 0 : i32
    %c0_i32_0 = arith.constant 0 : i32
    return %arg0, %c0_i32 : i32, i32
  }
  func.func @transform_2(%arg0: i32) -> (i32, i32) {
    %c0_i32 = arith.constant 0 : i32
    %c0_i32_0 = arith.constant 0 : i32
    %c0_i32_1 = arith.constant 0 : i32
    return %c0_i32, %c0_i32_0 : i32, i32
  }
  func.func @transform_3(%arg0: i32) -> (i32, i32) {
    %c0_i32 = arith.constant 0 : i32
    %c0_i32_0 = arith.constant 0 : i32
    return %arg0, %c0_i32 : i32, i32
  }
}

module attributes {stable_mosaic.version = 14 : i64} {
  func.func @_rel_tables_body(%arg0: i32, %arg1: memref<512x64xf32, #tpu.memory_space<vmem>>, %arg2: memref<512x128xf32, #tpu.memory_space<vmem>>, %arg3: memref<128x32xf32, #tpu.memory_space<vmem>>, %arg4: memref<128x32xf32, #tpu.memory_space<vmem>>, %arg5: memref<512x96xf32, #tpu.memory_space<vmem>>, %arg6: memref<512x32xf32, #tpu.memory_space<vmem>>) attributes {dimension_semantics = [#tpu.dimension_semantics<arbitrary>], iteration_bounds = array<i64: 20>, scalar_prefetch = 0 : i64, scratch_operands = 0 : i64, tpu.core_type = #tpu.core_type<tc>, window_params = [{transform_indices = @transform_0, window_bounds = array<i64: 512, 64>}, {transform_indices = @transform_1, window_bounds = array<i64: 512, 128>}, {pipeline_mode = #tpu.pipeline_mode<synchronous>, transform_indices = @transform_2, window_bounds = array<i64: 128, 32>}, {pipeline_mode = #tpu.pipeline_mode<synchronous>, transform_indices = @transform_3, window_bounds = array<i64: 128, 32>}, {transform_indices = @transform_4, window_bounds = array<i64: 512, 96>}, {transform_indices = @transform_5, window_bounds = array<i64: 512, 32>}]} {
    %get3A = arith.constant 0 : index
    %get3A_0 = arith.constant 0 : index
    %get3A_1 = vector.load %arg2[%get3A, %get3A_0] : memref<512x128xf32, #tpu.memory_space<vmem>>, vector<512x128xf32>
    %get3A_2 = arith.constant 0 : index
    %get3A_3 = arith.constant 0 : index
    %get3A_4 = vector.load %arg1[%get3A_2, %get3A_3] : memref<512x64xf32, #tpu.memory_space<vmem>>, vector<512x64xf32>
    %swap3A = arith.constant 0 : index
    %swap3A_5 = arith.constant 0 : index
    %swap3A_6 = vector.load %arg5[%swap3A, %swap3A_5] : memref<512x96xf32, #tpu.memory_space<vmem>>, vector<512x64xf32>
    tpu.vector_store %arg5[%swap3A, %swap3A_5], %get3A_4 {strides = array<i32>} : memref<512x96xf32, #tpu.memory_space<vmem>>, vector<512x64xf32>,
    %get3A_7 = arith.constant 0 : index
    %get3A_8 = arith.constant 0 : index
    %get3A_9 = vector.load %arg3[%get3A_7, %get3A_8] : memref<128x32xf32, #tpu.memory_space<vmem>>, vector<128x32xf32>
    %dot_general3A = arith.constant dense<0.000000e+00> : vector<512x32xf32>
    %dot_general3A_10 = tpu.matmul %get3A_1, %get3A_9, %dot_general3A {dimension_numbers = #tpu.dot_dimension_numbers<[1], [0], [0], [1], [0, 0, 1, 1], [], []>, precision = #tpu.contract_precision<fp32>, transpose_lhs_hint = false} : vector<512x128xf32>, vector<128x32xf32>, vector<512x32xf32> -> vector<512x32xf32>
    %swap3A_11 = arith.constant 0 : index
    %swap3A_12 = arith.constant 64 : index
    %swap3A_13 = vector.load %arg5[%swap3A_11, %swap3A_12] : memref<512x96xf32, #tpu.memory_space<vmem>>, vector<512x32xf32>
    tpu.vector_store %arg5[%swap3A_11, %swap3A_12], %dot_general3A_10 {strides = array<i32>} : memref<512x96xf32, #tpu.memory_space<vmem>>, vector<512x32xf32>,
    %get3A_14 = arith.constant 0 : index
    %get3A_15 = arith.constant 0 : index
    %get3A_16 = vector.load %arg4[%get3A_14, %get3A_15] : memref<128x32xf32, #tpu.memory_space<vmem>>, vector<128x32xf32>
    %dot_general3A_17 = arith.constant dense<0.000000e+00> : vector<512x32xf32>
    %dot_general3A_18 = tpu.matmul %get3A_1, %get3A_16, %dot_general3A_17 {dimension_numbers = #tpu.dot_dimension_numbers<[1], [0], [0], [1], [0, 0, 1, 1], [], []>, precision = #tpu.contract_precision<fp32>, transpose_lhs_hint = false} : vector<512x128xf32>, vector<128x32xf32>, vector<512x32xf32> -> vector<512x32xf32>
    %swap3A_19 = arith.constant 0 : index
    %swap3A_20 = arith.constant 0 : index
    %swap3A_21 = vector.load %arg6[%swap3A_19, %swap3A_20] : memref<512x32xf32, #tpu.memory_space<vmem>>, vector<512x32xf32>
    tpu.vector_store %arg6[%swap3A_19, %swap3A_20], %dot_general3A_18 {strides = array<i32>} : memref<512x32xf32, #tpu.memory_space<vmem>>, vector<512x32xf32>,
    return
  }
  func.func @transform_0(%arg0: i32) -> (i32, i32) {
    %c0_i32 = arith.constant 0 : i32
    %c0_i32_0 = arith.constant 0 : i32
    return %arg0, %c0_i32 : i32, i32
  }
  func.func @transform_1(%arg0: i32) -> (i32, i32) {
    %c0_i32 = arith.constant 0 : i32
    %c0_i32_0 = arith.constant 0 : i32
    return %arg0, %c0_i32 : i32, i32
  }
  func.func @transform_2(%arg0: i32) -> (i32, i32) {
    %c0_i32 = arith.constant 0 : i32
    %c0_i32_0 = arith.constant 0 : i32
    %c0_i32_1 = arith.constant 0 : i32
    return %c0_i32, %c0_i32_0 : i32, i32
  }
  func.func @transform_3(%arg0: i32) -> (i32, i32) {
    %c0_i32 = arith.constant 0 : i32
    %c0_i32_0 = arith.constant 0 : i32
    %c0_i32_1 = arith.constant 0 : i32
    return %c0_i32, %c0_i32_0 : i32, i32
  }
  func.func @transform_4(%arg0: i32) -> (i32, i32) {
    %c0_i32 = arith.constant 0 : i32
    %c0_i32_0 = arith.constant 0 : i32
    return %arg0, %c0_i32 : i32, i32
  }
  func.func @transform_5(%arg0: i32) -> (i32, i32) {
    %c0_i32 = arith.constant 0 : i32
    %c0_i32_0 = arith.constant 0 : i32
    return %arg0, %c0_i32 : i32, i32
  }
}

module attributes {stable_mosaic.version = 14 : i64} {
  func.func @_rel_tables_body(%arg0: i32, %arg1: memref<512x64xf32, #tpu.memory_space<vmem>>, %arg2: memref<512x128xf32, #tpu.memory_space<vmem>>, %arg3: memref<128x32xf32, #tpu.memory_space<vmem>>, %arg4: memref<128x32xf32, #tpu.memory_space<vmem>>, %arg5: memref<512x96xf32, #tpu.memory_space<vmem>>, %arg6: memref<512x32xf32, #tpu.memory_space<vmem>>) attributes {dimension_semantics = [#tpu.dimension_semantics<arbitrary>], iteration_bounds = array<i64: 20>, scalar_prefetch = 0 : i64, scratch_operands = 0 : i64, tpu.core_type = #tpu.core_type<tc>, window_params = [{transform_indices = @transform_0, window_bounds = array<i64: 512, 64>}, {transform_indices = @transform_1, window_bounds = array<i64: 512, 128>}, {pipeline_mode = #tpu.pipeline_mode<synchronous>, transform_indices = @transform_2, window_bounds = array<i64: 128, 32>}, {pipeline_mode = #tpu.pipeline_mode<synchronous>, transform_indices = @transform_3, window_bounds = array<i64: 128, 32>}, {transform_indices = @transform_4, window_bounds = array<i64: 512, 96>}, {transform_indices = @transform_5, window_bounds = array<i64: 512, 32>}]} {
    %get3A = arith.constant 0 : index
    %get3A_0 = arith.constant 0 : index
    %get3A_1 = vector.load %arg2[%get3A, %get3A_0] : memref<512x128xf32, #tpu.memory_space<vmem>>, vector<512x128xf32>
    %get3A_2 = arith.constant 0 : index
    %get3A_3 = arith.constant 0 : index
    %get3A_4 = vector.load %arg1[%get3A_2, %get3A_3] : memref<512x64xf32, #tpu.memory_space<vmem>>, vector<512x64xf32>
    %swap3A = arith.constant 0 : index
    %swap3A_5 = arith.constant 0 : index
    %swap3A_6 = vector.load %arg5[%swap3A, %swap3A_5] : memref<512x96xf32, #tpu.memory_space<vmem>>, vector<512x64xf32>
    tpu.vector_store %arg5[%swap3A, %swap3A_5], %get3A_4 {strides = array<i32>} : memref<512x96xf32, #tpu.memory_space<vmem>>, vector<512x64xf32>,
    %get3A_7 = arith.constant 0 : index
    %get3A_8 = arith.constant 0 : index
    %get3A_9 = vector.load %arg3[%get3A_7, %get3A_8] : memref<128x32xf32, #tpu.memory_space<vmem>>, vector<128x32xf32>
    %dot_general3A = arith.constant dense<0.000000e+00> : vector<512x32xf32>
    %dot_general3A_10 = tpu.matmul %get3A_1, %get3A_9, %dot_general3A {dimension_numbers = #tpu.dot_dimension_numbers<[1], [0], [0], [1], [0, 0, 1, 1], [], []>, precision = #tpu.contract_precision<fp32>, transpose_lhs_hint = false} : vector<512x128xf32>, vector<128x32xf32>, vector<512x32xf32> -> vector<512x32xf32>
    %swap3A_11 = arith.constant 0 : index
    %swap3A_12 = arith.constant 64 : index
    %swap3A_13 = vector.load %arg5[%swap3A_11, %swap3A_12] : memref<512x96xf32, #tpu.memory_space<vmem>>, vector<512x32xf32>
    tpu.vector_store %arg5[%swap3A_11, %swap3A_12], %dot_general3A_10 {strides = array<i32>} : memref<512x96xf32, #tpu.memory_space<vmem>>, vector<512x32xf32>,
    %get3A_14 = arith.constant 0 : index
    %get3A_15 = arith.constant 0 : index
    %get3A_16 = vector.load %arg4[%get3A_14, %get3A_15] : memref<128x32xf32, #tpu.memory_space<vmem>>, vector<128x32xf32>
    %dot_general3A_17 = arith.constant dense<0.000000e+00> : vector<512x32xf32>
    %dot_general3A_18 = tpu.matmul %get3A_1, %get3A_16, %dot_general3A_17 {dimension_numbers = #tpu.dot_dimension_numbers<[1], [0], [0], [1], [0, 0, 1, 1], [], []>, precision = #tpu.contract_precision<fp32>, transpose_lhs_hint = false} : vector<512x128xf32>, vector<128x32xf32>, vector<512x32xf32> -> vector<512x32xf32>
    %swap3A_19 = arith.constant 0 : index
    %swap3A_20 = arith.constant 0 : index
    %swap3A_21 = vector.load %arg6[%swap3A_19, %swap3A_20] : memref<512x32xf32, #tpu.memory_space<vmem>>, vector<512x32xf32>
    tpu.vector_store %arg6[%swap3A_19, %swap3A_20], %dot_general3A_18 {strides = array<i32>} : memref<512x32xf32, #tpu.memory_space<vmem>>, vector<512x32xf32>,
    return
  }
  func.func @transform_0(%arg0: i32) -> (i32, i32) {
    %c0_i32 = arith.constant 0 : i32
    %c0_i32_0 = arith.constant 0 : i32
    return %arg0, %c0_i32 : i32, i32
  }
  func.func @transform_1(%arg0: i32) -> (i32, i32) {
    %c0_i32 = arith.constant 0 : i32
    %c0_i32_0 = arith.constant 0 : i32
    return %arg0, %c0_i32 : i32, i32
  }
  func.func @transform_2(%arg0: i32) -> (i32, i32) {
    %c0_i32 = arith.constant 0 : i32
    %c0_i32_0 = arith.constant 0 : i32
    %c0_i32_1 = arith.constant 0 : i32
    return %c0_i32, %c0_i32_0 : i32, i32
  }
  func.func @transform_3(%arg0: i32) -> (i32, i32) {
    %c0_i32 = arith.constant 0 : i32
    %c0_i32_0 = arith.constant 0 : i32
    %c0_i32_1 = arith.constant 0 : i32
    return %c0_i32, %c0_i32_0 : i32, i32
  }
  func.func @transform_4(%arg0: i32) -> (i32, i32) {
    %c0_i32 = arith.constant 0 : i32
    %c0_i32_0 = arith.constant 0 : i32
    return %arg0, %c0_i32 : i32, i32
  }
  func.func @transform_5(%arg0: i32) -> (i32, i32) {
    %c0_i32 = arith.constant 0 : i32
    %c0_i32_0 = arith.constant 0 : i32
    return %arg0, %c0_i32 : i32, i32
  }
}

module attributes {stable_mosaic.version = 14 : i64} {
  func.func @_tau_table_body(%arg0: i32, %arg1: memref<1x64xf32, #tpu.memory_space<vmem>>, %arg2: memref<1x64xf32, #tpu.memory_space<vmem>>, %arg3: memref<1x64xf32, #tpu.memory_space<vmem>>, %arg4: memref<1x64xf32, #tpu.memory_space<vmem>>, %arg5: memref<1x128xf32, #tpu.memory_space<vmem>>, %arg6: memref<1x128xf32, #tpu.memory_space<vmem>>, %arg7: memref<1x128xf32, #tpu.memory_space<vmem>>, %arg8: memref<1x128xf32, #tpu.memory_space<vmem>>, %arg9: memref<128x32xf32, #tpu.memory_space<vmem>>, %arg10: memref<1x32xf32, #tpu.memory_space<vmem>>, %arg11: memref<1296x96xf32, #tpu.memory_space<vmem>>) attributes {dimension_semantics = [#tpu.dimension_semantics<arbitrary>], iteration_bounds = array<i64: 8>, scalar_prefetch = 0 : i64, scratch_operands = 0 : i64, tpu.core_type = #tpu.core_type<tc>, window_params = [{pipeline_mode = #tpu.pipeline_mode<synchronous>, transform_indices = @transform_0, window_bounds = array<i64: 1, 64>}, {pipeline_mode = #tpu.pipeline_mode<synchronous>, transform_indices = @transform_1, window_bounds = array<i64: 1, 64>}, {pipeline_mode = #tpu.pipeline_mode<synchronous>, transform_indices = @transform_2, window_bounds = array<i64: 1, 64>}, {pipeline_mode = #tpu.pipeline_mode<synchronous>, transform_indices = @transform_3, window_bounds = array<i64: 1, 64>}, {pipeline_mode = #tpu.pipeline_mode<synchronous>, transform_indices = @transform_4, window_bounds = array<i64: 1, 128>}, {pipeline_mode = #tpu.pipeline_mode<synchronous>, transform_indices = @transform_5, window_bounds = array<i64: 1, 128>}, {pipeline_mode = #tpu.pipeline_mode<synchronous>, transform_indices = @transform_6, window_bounds = array<i64: 1, 128>}, {pipeline_mode = #tpu.pipeline_mode<synchronous>, transform_indices = @transform_7, window_bounds = array<i64: 1, 128>}, {pipeline_mode = #tpu.pipeline_mode<synchronous>, transform_indices = @transform_8, window_bounds = array<i64: 128, 32>}, {pipeline_mode = #tpu.pipeline_mode<synchronous>, transform_indices = @transform_9, window_bounds = array<i64: 1, 32>}, {transform_indices = @transform_10, window_bounds = array<i64: 1296, 96>}]} {
    %iota3A = tpu.iota {dimensions = array<i32: 0>} : vector<1296x1xi32>
    %mul3A = arith.constant 1296 : i32
    %mul3A_0 = arith.muli %arg0, %mul3A : i32
    %sub3A = arith.constant 366 : i32
    %sub3A_1 = arith.subi %mul3A_0, %sub3A : i32
    %add3A = vector.broadcast %sub3A_1 : i32 to vector<1296x1xi32>
    %add3A_2 = arith.addi %iota3A, %add3A : vector<1296x1xi32>
    %convert_element_type3A = arith.sitofp %add3A_2 : vector<1296x1xi32> to vector<1296x1xf32>
    %get3A = arith.constant 0 : index
    %get3A_3 = arith.constant 0 : index
    %get3A_4 = vector.load %arg1[%get3A, %get3A_3] : memref<1x64xf32, #tpu.memory_space<vmem>>, vector<1x64xf32>
    %mul3A_5 = vector.broadcast %get3A_4 : vector<1x64xf32> to vector<1296x64xf32>
    %mul3A_6 = vector.broadcast %convert_element_type3A : vector<1296x1xf32> to vector<1296x64xf32>
    %mul3A_7 = arith.mulf %mul3A_5, %mul3A_6 : vector<1296x64xf32>
    %get3A_8 = arith.constant 0 : index
    %get3A_9 = arith.constant 0 : index
    %get3A_10 = vector.load %arg2[%get3A_8, %get3A_9] : memref<1x64xf32, #tpu.memory_space<vmem>>, vector<1x64xf32>
    %add3A_11 = vector.broadcast %get3A_10 : vector<1x64xf32> to vector<1296x64xf32>
    %add3A_12 = arith.addf %mul3A_7, %add3A_11 : vector<1296x64xf32>
    %get3A_13 = arith.constant 0 : index
    %get3A_14 = arith.constant 0 : index
    %get3A_15 = vector.load %arg3[%get3A_13, %get3A_14] : memref<1x64xf32, #tpu.memory_space<vmem>>, vector<1x64xf32>
    %mul3A_16 = vector.broadcast %get3A_15 : vector<1x64xf32> to vector<1296x64xf32>
    %mul3A_17 = vector.broadcast %convert_element_type3A : vector<1296x1xf32> to vector<1296x64xf32>
    %mul3A_18 = arith.mulf %mul3A_16, %mul3A_17 : vector<1296x64xf32>
    %get3A_19 = arith.constant 0 : index
    %get3A_20 = arith.constant 0 : index
    %get3A_21 = vector.load %arg4[%get3A_19, %get3A_20] : memref<1x64xf32, #tpu.memory_space<vmem>>, vector<1x64xf32>
    %add3A_22 = vector.broadcast %get3A_21 : vector<1x64xf32> to vector<1296x64xf32>
    %add3A_23 = arith.addf %mul3A_18, %add3A_22 : vector<1296x64xf32>
    %sin3A = math.sin %add3A_23 : vector<1296x64xf32>
    %add3A_24 = arith.addf %add3A_12, %sin3A : vector<1296x64xf32>
    %get3A_25 = arith.constant 0 : index
    %get3A_26 = arith.constant 0 : index
    %get3A_27 = vector.load %arg5[%get3A_25, %get3A_26] : memref<1x128xf32, #tpu.memory_space<vmem>>, vector<1x128xf32>
    %mul3A_28 = vector.broadcast %get3A_27 : vector<1x128xf32> to vector<1296x128xf32>
    %mul3A_29 = vector.broadcast %convert_element_type3A : vector<1296x1xf32> to vector<1296x128xf32>
    %mul3A_30 = arith.mulf %mul3A_28, %mul3A_29 : vector<1296x128xf32>
    %get3A_31 = arith.constant 0 : index
    %get3A_32 = arith.constant 0 : index
    %get3A_33 = vector.load %arg6[%get3A_31, %get3A_32] : memref<1x128xf32, #tpu.memory_space<vmem>>, vector<1x128xf32>
    %add3A_34 = vector.broadcast %get3A_33 : vector<1x128xf32> to vector<1296x128xf32>
    %add3A_35 = arith.addf %mul3A_30, %add3A_34 : vector<1296x128xf32>
    %get3A_36 = arith.constant 0 : index
    %get3A_37 = arith.constant 0 : index
    %get3A_38 = vector.load %arg7[%get3A_36, %get3A_37] : memref<1x128xf32, #tpu.memory_space<vmem>>, vector<1x128xf32>
    %mul3A_39 = vector.broadcast %get3A_38 : vector<1x128xf32> to vector<1296x128xf32>
    %mul3A_40 = vector.broadcast %convert_element_type3A : vector<1296x1xf32> to vector<1296x128xf32>
    %mul3A_41 = arith.mulf %mul3A_39, %mul3A_40 : vector<1296x128xf32>
    %get3A_42 = arith.constant 0 : index
    %get3A_43 = arith.constant 0 : index
    %get3A_44 = vector.load %arg8[%get3A_42, %get3A_43] : memref<1x128xf32, #tpu.memory_space<vmem>>, vector<1x128xf32>
    %add3A_45 = vector.broadcast %get3A_44 : vector<1x128xf32> to vector<1296x128xf32>
    %add3A_46 = arith.addf %mul3A_41, %add3A_45 : vector<1296x128xf32>
    %sin3A_47 = math.sin %add3A_46 : vector<1296x128xf32>
    %add3A_48 = arith.addf %add3A_35, %sin3A_47 : vector<1296x128xf32>
    %swap3A = arith.constant 0 : index
    %swap3A_49 = arith.constant 0 : index
    %swap3A_50 = vector.load %arg11[%swap3A, %swap3A_49] : memref<1296x96xf32, #tpu.memory_space<vmem>>, vector<1296x64xf32>
    tpu.vector_store %arg11[%swap3A, %swap3A_49], %add3A_24 {strides = array<i32>} : memref<1296x96xf32, #tpu.memory_space<vmem>>, vector<1296x64xf32>,
    %get3A_51 = arith.constant 0 : index
    %get3A_52 = arith.constant 0 : index
    %get3A_53 = vector.load %arg9[%get3A_51, %get3A_52] : memref<128x32xf32, #tpu.memory_space<vmem>>, vector<128x32xf32>
    %dot_general3A = arith.constant dense<0.000000e+00> : vector<1296x32xf32>
    %dot_general3A_54 = tpu.matmul %add3A_48, %get3A_53, %dot_general3A {dimension_numbers = #tpu.dot_dimension_numbers<[1], [0], [0], [1], [0, 0, 1, 1], [], []>, precision = #tpu.contract_precision<fp32>, transpose_lhs_hint = false} : vector<1296x128xf32>, vector<128x32xf32>, vector<1296x32xf32> -> vector<1296x32xf32>
    %get3A_55 = arith.constant 0 : index
    %get3A_56 = arith.constant 0 : index
    %get3A_57 = vector.load %arg10[%get3A_55, %get3A_56] : memref<1x32xf32, #tpu.memory_space<vmem>>, vector<1x32xf32>
    %add3A_58 = vector.broadcast %get3A_57 : vector<1x32xf32> to vector<1296x32xf32>
    %add3A_59 = arith.addf %dot_general3A_54, %add3A_58 : vector<1296x32xf32>
    %swap3A_60 = arith.constant 0 : index
    %swap3A_61 = arith.constant 64 : index
    %swap3A_62 = vector.load %arg11[%swap3A_60, %swap3A_61] : memref<1296x96xf32, #tpu.memory_space<vmem>>, vector<1296x32xf32>
    tpu.vector_store %arg11[%swap3A_60, %swap3A_61], %add3A_59 {strides = array<i32>} : memref<1296x96xf32, #tpu.memory_space<vmem>>, vector<1296x32xf32>,
    return
  }
  func.func @transform_0(%arg0: i32) -> (i32, i32) {
    %c0_i32 = arith.constant 0 : i32
    %c0_i32_0 = arith.constant 0 : i32
    %c0_i32_1 = arith.constant 0 : i32
    return %c0_i32, %c0_i32_0 : i32, i32
  }
  func.func @transform_1(%arg0: i32) -> (i32, i32) {
    %c0_i32 = arith.constant 0 : i32
    %c0_i32_0 = arith.constant 0 : i32
    %c0_i32_1 = arith.constant 0 : i32
    return %c0_i32, %c0_i32_0 : i32, i32
  }
  func.func @transform_2(%arg0: i32) -> (i32, i32) {
    %c0_i32 = arith.constant 0 : i32
    %c0_i32_0 = arith.constant 0 : i32
    %c0_i32_1 = arith.constant 0 : i32
    return %c0_i32, %c0_i32_0 : i32, i32
  }
  func.func @transform_3(%arg0: i32) -> (i32, i32) {
    %c0_i32 = arith.constant 0 : i32
    %c0_i32_0 = arith.constant 0 : i32
    %c0_i32_1 = arith.constant 0 : i32
    return %c0_i32, %c0_i32_0 : i32, i32
  }
  func.func @transform_4(%arg0: i32) -> (i32, i32) {
    %c0_i32 = arith.constant 0 : i32
    %c0_i32_0 = arith.constant 0 : i32
    %c0_i32_1 = arith.constant 0 : i32
    return %c0_i32, %c0_i32_0 : i32, i32
  }
  func.func @transform_5(%arg0: i32) -> (i32, i32) {
    %c0_i32 = arith.constant 0 : i32
    %c0_i32_0 = arith.constant 0 : i32
    %c0_i32_1 = arith.constant 0 : i32
    return %c0_i32, %c0_i32_0 : i32, i32
  }
  func.func @transform_6(%arg0: i32) -> (i32, i32) {
    %c0_i32 = arith.constant 0 : i32
    %c0_i32_0 = arith.constant 0 : i32
    %c0_i32_1 = arith.constant 0 : i32
    return %c0_i32, %c0_i32_0 : i32, i32
  }
  func.func @transform_7(%arg0: i32) -> (i32, i32) {
    %c0_i32 = arith.constant 0 : i32
    %c0_i32_0 = arith.constant 0 : i32
    %c0_i32_1 = arith.constant 0 : i32
    return %c0_i32, %c0_i32_0 : i32, i32
  }
  func.func @transform_8(%arg0: i32) -> (i32, i32) {
    %c0_i32 = arith.constant 0 : i32
    %c0_i32_0 = arith.constant 0 : i32
    %c0_i32_1 = arith.constant 0 : i32
    return %c0_i32, %c0_i32_0 : i32, i32
  }
  func.func @transform_9(%arg0: i32) -> (i32, i32) {
    %c0_i32 = arith.constant 0 : i32
    %c0_i32_0 = arith.constant 0 : i32
    %c0_i32_1 = arith.constant 0 : i32
    return %c0_i32, %c0_i32_0 : i32, i32
  }
  func.func @transform_10(%arg0: i32) -> (i32, i32) {
    %c0_i32 = arith.constant 0 : i32
    %c0_i32_0 = arith.constant 0 : i32
    return %arg0, %c0_i32 : i32, i32
  }
}

module attributes {stable_mosaic.version = 14 : i64} {
  func.func @_final_body(%arg0: i32, %arg1: memref<1000x64xf32, #tpu.memory_space<vmem>>, %arg2: memref<1000x64xf32, #tpu.memory_space<vmem>>, %arg3: memref<64x128xf32, #tpu.memory_space<vmem>>, %arg4: memref<64x128xf32, #tpu.memory_space<vmem>>, %arg5: memref<1000x128xf32, #tpu.memory_space<vmem>>) attributes {dimension_semantics = [#tpu.dimension_semantics<arbitrary>], iteration_bounds = array<i64: 10>, scalar_prefetch = 0 : i64, scratch_operands = 0 : i64, tpu.core_type = #tpu.core_type<tc>, window_params = [{transform_indices = @transform_0, window_bounds = array<i64: 1000, 64>}, {transform_indices = @transform_1, window_bounds = array<i64: 1000, 64>}, {transform_indices = @transform_2, window_bounds = array<i64: 64, 128>}, {transform_indices = @transform_3, window_bounds = array<i64: 64, 128>}, {transform_indices = @transform_4, window_bounds = array<i64: 1000, 128>}]} {
    %get3A = arith.constant 0 : index
    %get3A_0 = arith.constant 0 : index
    %get3A_1 = vector.load %arg1[%get3A, %get3A_0] : memref<1000x64xf32, #tpu.memory_space<vmem>>, vector<1000x64xf32>
    %get3A_2 = arith.constant 0 : index
    %get3A_3 = arith.constant 0 : index
    %get3A_4 = vector.load %arg3[%get3A_2, %get3A_3] : memref<64x128xf32, #tpu.memory_space<vmem>>, vector<64x128xf32>
    %dot_general3A = arith.constant dense<0.000000e+00> : vector<1000x128xf32>
    %dot_general3A_5 = tpu.matmul %get3A_1, %get3A_4, %dot_general3A {dimension_numbers = #tpu.dot_dimension_numbers<[1], [0], [0], [1], [0, 0, 1, 1], [], []>, precision = #tpu.contract_precision<fp32>, transpose_lhs_hint = false} : vector<1000x64xf32>, vector<64x128xf32>, vector<1000x128xf32> -> vector<1000x128xf32>
    %get3A_6 = arith.constant 0 : index
    %get3A_7 = arith.constant 0 : index
    %get3A_8 = vector.load %arg2[%get3A_6, %get3A_7] : memref<1000x64xf32, #tpu.memory_space<vmem>>, vector<1000x64xf32>
    %get3A_9 = arith.constant 0 : index
    %get3A_10 = arith.constant 0 : index
    %get3A_11 = vector.load %arg4[%get3A_9, %get3A_10] : memref<64x128xf32, #tpu.memory_space<vmem>>, vector<64x128xf32>
    %dot_general3A_12 = arith.constant dense<0.000000e+00> : vector<1000x128xf32>
    %dot_general3A_13 = tpu.matmul %get3A_8, %get3A_11, %dot_general3A_12 {dimension_numbers = #tpu.dot_dimension_numbers<[1], [0], [0], [1], [0, 0, 1, 1], [], []>, precision = #tpu.contract_precision<fp32>, transpose_lhs_hint = false} : vector<1000x64xf32>, vector<64x128xf32>, vector<1000x128xf32> -> vector<1000x128xf32>
    %add3A = arith.addf %dot_general3A_5, %dot_general3A_13 : vector<1000x128xf32>
    %swap3A = arith.constant 0 : index
    %swap3A_14 = arith.constant 0 : index
    %swap3A_15 = vector.load %arg5[%swap3A, %swap3A_14] : memref<1000x128xf32, #tpu.memory_space<vmem>>, vector<1000x128xf32>
    tpu.vector_store %arg5[%swap3A, %swap3A_14], %add3A {strides = array<i32>} : memref<1000x128xf32, #tpu.memory_space<vmem>>, vector<1000x128xf32>,
    return
  }
  func.func @transform_0(%arg0: i32) -> (i32, i32) {
    %c0_i32 = arith.constant 0 : i32
    %c0_i32_0 = arith.constant 0 : i32
    return %arg0, %c0_i32 : i32, i32
  }
  func.func @transform_1(%arg0: i32) -> (i32, i32) {
    %c0_i32 = arith.constant 0 : i32
    %c0_i32_0 = arith.constant 0 : i32
    return %arg0, %c0_i32 : i32, i32
  }
  func.func @transform_2(%arg0: i32) -> (i32, i32) {
    %c0_i32 = arith.constant 0 : i32
    %c0_i32_0 = arith.constant 0 : i32
    %c0_i32_1 = arith.constant 0 : i32
    return %c0_i32, %c0_i32_0 : i32, i32
  }
  func.func @transform_3(%arg0: i32) -> (i32, i32) {
    %c1_i32 = arith.constant 1 : i32
    %c0_i32 = arith.constant 0 : i32
    %c0_i32_0 = arith.constant 0 : i32
    return %c1_i32, %c0_i32 : i32, i32
  }
  func.func @transform_4(%arg0: i32) -> (i32, i32) {
    %c0_i32 = arith.constant 0 : i32
    %c0_i32_0 = arith.constant 0 : i32
    return %arg0, %c0_i32 : i32, i32
  }
}

</mosaic_0001>

<sc_bundles>
// kernel: kernel.10.cloned.1.call-start
scs
__scs_entry_jumppad:
0x0: {  	(pc) =	sbr.rel $0x88, $3  }
0x1: {  	(tag) =	ssettag $0x0;
	lr =	simm.s32 $0x1  }
0x2: {  	[smem:$0x3F90] =	sst lr;
	_ =	strace $0xD0000000  }
0x3: {  	_ = 	snop  }
0x4: {  	_ = 	snop  }
0x5: {  	_ = 	snop  }
0x6: {  	_ = 	snop  }
0x7: {  	_ = 	snop  }
__scs_overlays_trampoline_lowered:
0x8: {  	[smem:$0x3F9F] =	sst s0  }
0x9: {  	[smem:$0x3FA0] =	sst s1  }
0xa: {  	[smem:$0x3FA1] =	sst s2  }
0xb: {  	[smem:$0x3FA2] =	sst s3  }
0xc: {  	[smem:$0x3FA3] =	sst s4  }
0xd: {  	[smem:$0x3FA4] =	sst s5  }
0xe: {  	[smem:$0x3FA5] =	sst s6  }
0xf: {  	[smem:$0x3FA6] =	sst s7  }
0x10: {  	[smem:$0x3FA7] =	sst s8  }
0x11: {  	[smem:$0x3FA8] =	sst s9;
	s0 =	simm.s32 @!p0 $0x0  }
0x12: {  	s1 =	sld [smem:$0x3F8E];
	s0 =	simm.s32 @p0 $0x1  }
0x13: {  	[smem:$0x3FA9] =	sst s0;
	s0 =	simm.s32 @!p1 $0x0  }
0x14: {  	s2 =	sld [smem:$0x3F8D];
	s0 =	simm.s32 @p1 $0x1  }
0x15: {  	[smem:$0x3FAA] =	sst s0;
	s0 =	simm.s32 @!p2 $0x0  }
0x16: {  	s3 =	sld [smem:$0x3FDB];
	s0 =	simm.s32 @p2 $0x1  }
0x17: {  	s4 =	simm.s32 $0x1BF5;
	[smem:$0x3FAC] =	sst s0  }
0x18: {  	s0 =	sld [smem:$0x3F8F];
	_ =	swait.ge [sflag:s4], $0x0  }
0x19: {  	s7 =	sld [smem:$0x3F90]  }
0x1a: {  	s8 =	sadd.s32 $0xFFFFE003, lr  }
0x1b: {  	s9 =	sadd.s32 $0xFFFFFEF7, lr;
	s5 =	simm.s32 $0xFFFFFFFF;
	p2 =	slt.u32 s8, $0xFFFFF086  }
0x1c: {  	p1 =	slt.u32 s9, $0xF7A;
	s5 =	simm.s32 @!p2 $0x0  }
0x1d: {  	s5 =	simm.s32 @p1 $0x1;
	p0 =	seq.s32 s7, s2  }
0x1e: {  	s7 =	smul.u32 @!p0 $0xF7A, s2;
	p2 =	seq.s32 @!p0 s5, $0x0  }
0x1f: {  	s9 =	smul.u32 $0xF7A, s1;
	s8 =	simm.s32 @!p0 $0x1BF5;
	p2 =	por !p2, p0  }
0x20: {  	[sflag:s8] =	ssyncset.s32 @!p0 $0xFFFFF086;
	s6 =	sadd.s32 @!p0 s3, s7;
	s7 =	simm.s32 @!p0 $0x108  }
0x21: {  	s3 =	sadd.s32 s3, s9;
	s6 =	sadd.s32 @!p0 $0x88, s6;
	s7 =	simm.s32 @p2 $0x1082  }
0x22: {  	[simem:s7], [sflag:s8] =	dma.local @!p0 [hbm:s6], $0xF7A  }
0x23: {  	s9 =	sor.u32 $0xD0000000, s2;
	s6 =	simm.s32 $0x108;
	_ =	swait.ge @!p0 [sflag:s8], $0x0  }
0x24: {  	s3 =	sadd.s32 $0x88, s3;
	s6 =	simm.s32 @!p1 $0x1082;
	[sflag:s4] =	ssyncset.s32 $0xFFFFF086  }
0x25: {  	[simem:s6], [sflag:s4] =	dma.local [hbm:s3], $0xF7A  }
0x26: {  	[smem:$0x3F90] =	sst s1;
	(tag) =	ssettag s2;
	_ =	strace s9  }
0x27: {  	s1 =	sld [smem:$0x3FA0]  }
0x28: {  	s2 =	sld [smem:$0x3FA1]  }
0x29: {  	s4 =	sld [smem:$0x3FA3]  }
0x2a: {  	p0 =	seq.s32 s5, $0x0;
	s5 =	sld [smem:$0x3FA4]  }
0x2b: {  	s6 =	sld [smem:$0x3FA5]  }
0x2c: {  	s7 =	sld [smem:$0x3FA6]  }
0x2d: {  	s3 =	simm.s32 $0x108;
	s8 =	sld [smem:$0x3FA7]  }
0x2e: {  	s3 =	simm.s32 @!p0 $0x1082;
	s9 =	sld [smem:$0x3FA8]  }
0x2f: {  	lr =	sadd.s32 s0, s3;
	s0 =	sld [smem:$0x3F9F]  }
0x30: {  	s3 =	sld [smem:$0x3FA2]  }
0x31: {  	[smem:$0x3FAB] =	sst s10  }
0x32: {  	s10 =	sld [smem:$0x3FA9];
	_ =	sdelay $0x3  }
0x33: {  	p0 =	seq.s32 s10, $0x1;
	s10 =	sld [smem:$0x3FAB];
	_ =	sdelay $0x3  }
0x34: {  	[smem:$0x3FAB] =	sst s10  }
0x35: {  	s10 =	sld [smem:$0x3FAA];
	_ =	sdelay $0x3  }
0x36: {  	p1 =	seq.s32 s10, $0x1;
	s10 =	sld [smem:$0x3FAB];
	_ =	sdelay $0x3  }
0x37: {  	[smem:$0x3FAB] =	sst s10  }
0x38: {  	s10 =	sld [smem:$0x3FAC]  }
0x39: {  	_ = 	snop;
	(pc) =	sbr.ind lr, $3  }
0x3a: {  	_ = 	snop  }
0x3b: {  	_ = 	snop  }
0x3c: {  	p2 =	seq.s32 s10, $0x1;
	s10 =	sld [smem:$0x3FAB]  }
0x3d: {  	_ =	shalt  }
0x3e: {  	_ =	shalt  }
0x3f: {  	_ =	shalt  }
0x40: {  	_ =	shalt  }
0x41: {  	_ =	shalt  }
0x42: {  	_ =	shalt  }
0x43: {  	_ =	shalt  }
0x44: {  	_ =	shalt  }
0x45: {  	_ =	shalt  }
0x46: {  	_ =	shalt  }
0x47: {  	_ =	shalt  }
0x48: {  	_ =	shalt  }
0x49: {  	_ =	shalt  }
0x4a: {  	_ =	shalt  }
0x4b: {  	_ =	shalt  }
0x4c: {  	_ =	shalt  }
0x4d: {  	_ =	shalt  }
0x4e: {  	_ =	shalt  }
0x4f: {  	_ =	shalt  }
0x50: {  	_ =	shalt  }
0x51: {  	_ =	shalt  }
0x52: {  	_ =	shalt  }
0x53: {  	_ =	shalt  }
0x54: {  	_ =	shalt  }
0x55: {  	_ =	shalt  }
0x56: {  	_ =	shalt  }
0x57: {  	_ =	shalt  }
0x58: {  	_ =	shalt  }
0x59: {  	_ =	shalt  }
0x5a: {  	_ =	shalt  }
0x5b: {  	_ =	shalt  }
0x5c: {  	_ =	shalt  }
0x5d: {  	_ =	shalt  }
0x5e: {  	_ =	shalt  }
0x5f: {  	_ =	shalt  }
0x60: {  	_ =	shalt  }
0x61: {  	_ =	shalt  }
0x62: {  	_ =	shalt  }
0x63: {  	_ =	shalt  }
0x64: {  	_ =	shalt  }
0x65: {  	_ =	shalt  }
0x66: {  	_ =	shalt  }
0x67: {  	_ =	shalt  }
0x68: {  	_ =	shalt  }
0x69: {  	_ =	shalt  }
0x6a: {  	_ =	shalt  }
0x6b: {  	_ =	shalt  }
0x6c: {  	_ =	shalt  }
0x6d: {  	_ =	shalt  }
0x6e: {  	_ =	shalt  }
0x6f: {  	_ =	shalt  }
0x70: {  	_ =	shalt  }
0x71: {  	_ =	shalt  }
0x72: {  	_ =	shalt  }
0x73: {  	_ =	shalt  }
0x74: {  	_ =	shalt  }
0x75: {  	_ =	shalt  }
0x76: {  	_ =	shalt  }
0x77: {  	_ =	shalt  }
0x78: {  	_ =	shalt  }
0x79: {  	_ =	shalt  }
0x7a: {  	_ =	shalt  }
0x7b: {  	_ =	shalt  }
0x7c: {  	_ =	shalt  }
0x7d: {  	_ =	shalt  }
0x7e: {  	_ =	shalt  }
0x7f: {  	_ =	shalt  }
0x80: {  	_ =	shalt  }
0x81: {  	_ =	shalt  }
0x82: {  	_ =	shalt  }
0x83: {  	_ =	shalt  }
0x84: {  	_ =	shalt  }
0x85: {  	_ =	shalt  }
0x86: {  	_ =	shalt  }
0x87: {  	_ =	shalt  }
.Lfunc_end0:
.L_simem_size_0:
called_computation_lowered:
.L_overlay_start_0:
0x88: {  	s2 =	sld [smem:$0x3FD9]  }
0x89: {  	s3 =	sld [smem:$0x3FFE];
	_ =	sdelay $0x1  }
0x8a: {  	s1 =	srdreg.scid  }
0x8b: {  	s0 =	sand.u32 $0x1, s1  }
0x8c: {  	s17 =	sshll.u32 s0, $0xA;
	s2 =	sadd.s32 s3, s2  }
0x8d: {  	s2 =	sadd.s32 s2, s17  }
0x8e: {  	[smem:$0x3FB7] =	sst s2  }
0x8f: {  	_ = 	snop  }
0x90: {  	s2 =	sld [smem:$0x3FC9]  }
0x91: {  	s18 =	sld [smem:$0x3FC8]  }
0x92: {  	s4 =	sld [smem:$0x3FD0];
	(tm) =	ssettm $0x1  }
0x93: {  	s5 =	sld [smem:$0x3FFB];
	_ =	sdelay $0x3  }
0x94: {  	_ =	strace s5  }
0x95: {  	s5 =	sld [smem:$0x3FFC];
	_ =	sdelay $0x3  }
0x96: {  	_ =	strace s5  }
0x97: {  	s5 =	sld [smem:$0x3FFD];
	_ =	sdelay $0x3  }
0x98: {  	_ =	strace s5  }
0x99: {  	_ =	strace $0x8FFFFFFF  }
0x9a: {  	s19 =	sld [smem:$0x3FDB];
	_ =	sdelay $0x1  }
0x9b: {  	s6 =	simm.s32 $_scs_section_size  }
0x9c: {  	s7 =	simm.s32 $_size__tile_overlayer_lowered;
	s8 =	simm.s32 $_tile_overlayer_lowered  }
0x9d: {  	s22 =	simm.s32 $0x1BFF;
	s21 =	sshll.u32 s8, $0x1;
	s5 =	sadd.s32 s6, s19  }
0x9e: {  	s9 =	simm.s32 $0x0;
	s20 =	sshll.u32 s7, $0x1;
	s7 =	sadd.s32 s21, s5  }
0x9f: {  	[timem:s9], [sflag:s22] =	dma.local [hbm:s7], s20  }
0xa0: {  	_ =	swait.ge [sflag:s22], s20  }
0xa1: {  	s6 =	ssub.s32 $0x0, s20;
	[sflag:s22] =	ssyncset.done $0x0  }
0xa2: {  	[sflag:s22] =	ssyncadd.s32 s6;
	_ =	sdelay $0x1  }
0xa3: {  	s23 =	simm.s32 $0x1B8B  }
0xa4: {  	_ =	swait.ge [sflag:s23], $0x1  }
0xa5: {  	[sflag:s23] =	ssyncset.done $0x0  }
0xa6: {  	s25 =	simm.s32 $0x1B8E;
	s24 =	sld [smem:$0x3FFE];
	[sflag:s23] =	ssyncadd.s32 $0xFFFFFFFF  }
0xa7: {  	s26 =	simm.s32 $execute0_lowered;
	[smem:$0x3FD2] =	sst s25  }
0xa8: {  	s7 =	sshll.u32 s26, $0x1;
	_ =	strace $0x80000046;
	[dreg:$0x1] =	wrdreg $0xFFFFFFFF  }
0xa9: {  	s28 =	simm.s32 $_size_execute0_lowered;
	s5 =	sadd.s32 s5, s7;
	[dreg:$0x0] =	wrdreg $0x0  }
0xaa: {  	s7 =	sshll.u32 s28, $0x1;
	[dreg:$0x2] =	wrdreg s5  }
0xab: {  	[dreg:$0x3] =	wrdreg s7  }
0xac: {  	[dreg:$0x4] =	wrdreg $0xC0  }
0xad: {  	_ =	task [dreg:s9], $0x5FFFF  }
0xae: {  	[dreg:$0x1] =	wrdreg $0xFFFFFFFF  }
0xaf: {  	[dreg:$0x0] =	wrdreg $0x60  }
0xb0: {  	[dreg:$0x2] =	wrdreg s2  }
0xb1: {  	[dreg:$0x3] =	wrdreg s18  }
0xb2: {  	[dreg:$0x4] =	wrdreg s24  }
0xb3: {  	[dreg:$0x5] =	wrdreg s4  }
0xb4: {  	[dreg:$0x6] =	wrdreg $0x12EB00  }
0xb5: {  	[dreg:$0x7] =	wrdreg $0x9  }
0xb6: {  	_ =	task.clear_ibuf [dreg:s9], $0x8FFFF;
	_ =	strace $0x90000046  }
0xb7: {  	s29 =	simm.s32 $0x9;
	_ =	strace $0x80000048  }
0xb8: {  	_ =	swait.ge [sflag:s29], $0x1  }
0xb9: {  	[sflag:s29] =	ssyncadd.s32 $0xFFFFFFFF  }
0xba: {  	_ =	strace $0x90000048  }
0xbb: {  	_ =	sfence  }
0xbc: {  	s30 =	sld [smem:$0x0];
	_ =	sdelay $0x2  }
0xbd: {  	s31 =	sshll.u32 s1, $0xD;
	s1 =	sshrl.u32 s1, $0x2  }
0xbe: {  	s3 =	sand.u32 $0x4000, s31;
	s1 =	sadd.s32 s1, s30  }
0xbf: {  	s0 =	sor.u32 s3, s0;
	s1 =	sshll.u32 s1, $0x11  }
0xc0: {  	s0 =	sor.u32 s1, s0  }
0xc1: {  	s0 =	sadd.s32 $0x8F2B, s0  }
0xc2: {  	[sflag:s0] =	ssyncadd.remote.s32 $0x1  }
0xc3: {  	_ =	sfence.sel $0xFFFF  }
0xc4: {  	[dreg:$0x0] =	wrdreg $0xFFFFFFFF;
	(pc) =	sbr.abs _section_cstart, $3  }
0xc5: {  	[dreg:$0x1] =	wrdreg $0xFFFFFFFF  }
0xc6: {  	_ =	task.clear_ibuf [dreg:s9], $0x2FFFF;
	_ =	strace $0x9FFFFFFF  }
0xc7: {  	(tm) =	ssettm $0x7FFFFFFF  }
tec
execute0_lowered:
.L_overlay_start_1:
0x0: {  	(tag) =	ssettag $0x1  }
0x1: {  	s2 =	rddreg [dreg:$0x2]  }
0x2: {  	s3 =	rddreg [dreg:$0x3]  }
0x3: {  	s0 =	simm.s32 $0x0;
	s1 =	srdreg.scid;
	s26 =	stileid.u32  }
0x4: {  	s29 =	simm.s32 $0x50;
	s28 =	simm.s32 $0xF2B0;
	s30 =	simm.s32 $0xB610  }
0x5: {  	s31 =	simm.s32 $0x110B0;
	[smem:$0x7FF] =	sst s0;
	s4 =	sadd.s32 $0x51E00, s2  }
0x6: {  	s5 =	sadd.s32 $0x5BC00, s2;
	s6 =	sadd.s32 $0x65A00, s2;
	s7 =	smul.u32 $0x4E20, s26  }
0x7: {  	s1 =	sand.u32 $0x1, s1;
	s8 =	sadd.s32 $0x6F800, s2;
	s10 =	smul.u32 $0x9C00, s26  }
0x8: {  	s13 =	sadd.s32 $0x79600, s2;
	p0 =	sne.s32 s26, $0xF;
	s9 =	ssub.s32 $0x2, s1  }
0x9: {  	s12 =	smul.u32 $0x9C400, s1;
	s11 =	sshrl.u32 s9, $0x1;
	s7 =	sshrl.u32 s7, $0x3  }
0xa: {  	s15 =	sadd.s32 $0x2000, s10;
	s16 =	sadd.s32 $0x4000, s10;
	s20 =	sadd.s32 $0x6000, s10  }
0xb: {  	s9 =	ssub.s32 s9, s11;
	s22 =	sadd.s32 s4, s7;
	s23 =	sadd.s32 s5, s7  }
0xc: {  	s24 =	sadd.s32 s10, s12;
	s14 =	sadd.s32 s6, s7;
	[dreg:$0x6] =	wrdreg s22  }
0xd: {  	s25 =	sadd.s32 s12, s15;
	s17 =	sadd.s32 s12, s16;
	[dreg:$0x7] =	wrdreg s23  }
0xe: {  	s18 =	sadd.s32 s12, s20;
	[dreg:$0x8] =	wrdreg s14;
	s11 =	sshrl.u32 s24, $0x3  }
0xf: {  	s14 =	sshrl.u32 s25, $0x3;
	s25 =	sadd.s32 $0x8000, s10;
	s19 =	sshrl.u32 s18, $0x3  }
0x10: {  	s23 =	smul.u32 $0x9C4, s26;
	s24 =	sadd.s32 s8, s7;
	s7 =	sadd.s32 s13, s7  }
0x11: {  	s11 =	sadd.s32 s3, s11;
	s21 =	sadd.s32 s12, s25;
	[dreg:$0xe] =	wrdreg s24  }
0x12: {  	s12 =	sshrl.u32 s12, $0x3;
	[dreg:$0xf] =	wrdreg s7;
	s24 =	sadd.s32 $0x47E00, s2  }
0x13: {  	[dreg:$0x9] =	wrdreg s11;
	s11 =	sadd.s32 s3, s14;
	s22 =	sshrl.u32 s21, $0x3  }
0x14: {  	s13 =	sadd.s32 s23, s13;
	s14 =	sadd.s32 s23, s8;
	s8 =	smul.u32 $0x27000, s26  }
0x15: {  	s18 =	sadd.s32 s23, s5;
	[dreg:$0xa] =	wrdreg s11;
	s11 =	sshrl.u32 s17, $0x3  }
0x16: {  	s17 =	sadd.s32 s23, s6;
	s6 =	rddreg [dreg:$0x4];
	s11 =	sadd.s32 s3, s11  }
0x17: {  	s21 =	sadd.s32 $0x83400, s2;
	[dreg:$0xb] =	wrdreg s11;
	s11 =	sadd.s32 s3, s19  }
0x18: {  	s7 =	sadd.s32 s10, s6;
	[dreg:$0xc] =	wrdreg s11;
	s11 =	sadd.s32 s3, s22  }
0x19: {  	s19 =	sadd.s32 s23, s4;
	s3 =	sadd.s32 s3, s12;
	[dreg:$0xd] =	wrdreg s11  }
0x1a: {  	s12 =	sshrl.u32 s8, $0x2;
	_ =	strace $0x80000047;
	[dreg:$0x10] =	wrdreg s24  }
0x1b: {  	s8 =	sadd.s32 s12, s6;
	s3 =	sadd.s32 $0x13800, s3;
	[dreg:$0x11] =	wrdreg s7  }
0x1c: {  	s23 =	sadd.s32 $0xBF400, s2;
	s4 =	sadd.s32 $0x1400, s8;
	[dreg:$0x1a] =	wrdreg s3  }
0x1d: {  	s22 =	sadd.s32 $0x1E00, s2;
	s10 =	sadd.s32 $0x2800, s8;
	[dreg:$0x12] =	wrdreg s4  }
0x1e: {  	s24 =	sadd.s32 $0x3DE00, s2;
	s11 =	sadd.s32 $0x3C00, s8;
	[dreg:$0x13] =	wrdreg s10  }
0x1f: {  	s12 =	sadd.s32 $0x5000, s8;
	s5 =	sadd.s32 $0x6400, s8;
	[dreg:$0x14] =	wrdreg s11  }
0x20: {  	s7 =	sadd.s32 $0x7800, s8;
	s2 =	sadd.s32 $0x8C00, s8;
	[dreg:$0x15] =	wrdreg s12  }
0x21: {  	s8 =	sadd.s32 s15, s6;
	s15 =	smul.u32 $0x2800, s1;
	[dreg:$0x16] =	wrdreg s5  }
0x22: {  	s1 =	smul.u32 $0x2880, s1;
	s3 =	simm.s32 $0x1;
	[dreg:$0x17] =	wrdreg s7  }
0x23: {  	[dreg:$0x18] =	wrdreg s2;
	s10 =	sadd.s32 s16, s6;
	s11 =	sadd.s32 s20, s6  }
0x24: {  	s12 =	sadd.s32 s25, s6;
	s6 =	sadd.s32 $0x9C000, s6;
	s16 =	smax.u32 s9, $0x1  }
0x25: {  	s2 =	sshrl.u32 s8, $0x3;
	s7 =	simm.s32 $0x3;
	[dreg:$0x1b] =	wrdreg s16  }
0x26: {  	s8 =	simm.s32 $0x2710;
	s5 =	simm.s32 $0xB4D0;
	[dreg:$0x1c] =	wrdreg s2  }
.Ltmp0:
0x27: {  	s20 =	sshrl.u32 s10, $0x3;
	[dreg:$0x19] =	wrdreg s6;
	(pc) =	sbr.rel .LBB2_1-.Ltmp0, $4  }
0x28: {  	s4 =	simm.s32 $0x0;
	s25 =	sshrl.u32 s11, $0x3;
	[dreg:$0x1d] =	wrdreg s20  }
0x29: {  	s26 =	sshrl.u32 s12, $0x3;
	s11 =	simm.s32 $0x4EA0;
	[dreg:$0x1e] =	wrdreg s25  }
0x2a: {  	v0 =	vmov s15;
	s15 =	simm.s32 $0x2;
	s10 =	simm.s32 $0xB5C0;
	[dreg:$0x1f] =	wrdreg s26  }
0x2b: {  	v2 =	vimm.f32 $0.0e+00;
	v1 =	vmov s1;
	s26 =	simm.s32 $0x4F40;
	s25 =	simm.s32 $0xB570;
	s20 =	simm.s32 $0xB660  }
.LBB2_6:
0x2c: {  	s1 =	stileid.u32;
	[bflag:$0x0] =	sbarrier.arrive $0xFFFF  }
0x2d: {  	s1 =	sshll.u32 s1, $0x6;
	s2 =	rddreg [dreg:$0x11]  }
0x2e: {  	s4 =	rddreg [dreg:$0x9];
	s1 =	sor.u32 $0x1C03, s1;
	s2 =	sshrl.u32 s2, $0x3  }
0x2f: {  	[hbm:s4], [sflag:s1] =	dma.local [spmem:s2], $0x400  }
0x30: {  	_ =	swait.ge [sflag:s7], $0x400  }
0x31: {  	[sflag:s7] =	ssyncset.done $0x0;
	s12 =	rddreg [dreg:$0xa]  }
0x32: {  	s16 =	rddreg [dreg:$0x1c];
	[sflag:s7] =	ssyncadd.s32 $0xFFFFFC00  }
0x33: {  	[hbm:s12], [sflag:s1] =	dma.local [spmem:s16], $0x400  }
0x34: {  	_ =	swait.ge [sflag:s7], $0x400  }
0x35: {  	[sflag:s7] =	ssyncset.done $0x0;
	s6 =	rddreg [dreg:$0xb]  }
0x36: {  	s9 =	rddreg [dreg:$0x1d];
	[sflag:s7] =	ssyncadd.s32 $0xFFFFFC00  }
0x37: {  	[hbm:s6], [sflag:s1] =	dma.local [spmem:s9], $0x400  }
0x38: {  	_ =	swait.ge [sflag:s7], $0x400  }
0x39: {  	[sflag:s7] =	ssyncset.done $0x0;
	s12 =	rddreg [dreg:$0xc]  }
0x3a: {  	s16 =	rddreg [dreg:$0x1e];
	[sflag:s7] =	ssyncadd.s32 $0xFFFFFC00  }
0x3b: {  	[hbm:s12], [sflag:s1] =	dma.local [spmem:s16], $0x400  }
0x3c: {  	_ =	swait.ge [sflag:s7], $0x400  }
0x3d: {  	[sflag:s7] =	ssyncset.done $0x0;
	s6 =	rddreg [dreg:$0xd]  }
0x3e: {  	s9 =	rddreg [dreg:$0x1f];
	[sflag:s7] =	ssyncadd.s32 $0xFFFFFC00  }
0x3f: {  	[hbm:s6], [sflag:s1] =	dma.local [spmem:s9], $0x380  }
0x40: {  	_ =	swait.ge [sflag:s7], $0x380  }
0x41: {  	[sflag:s7] =	ssyncset.done $0x0;
	s6 =	rddreg [dreg:$0x19]  }
0x42: {  	s4 =	rddreg [dreg:$0x1a];
	[sflag:s7] =	ssyncadd.s32 $0xFFFFFC80;
	s2 =	sshrl.u32 @!p0 s6, $0x3  }
0x43: {  	[hbm:s4], [sflag:s1] =	dma.local @!p0 [spmem:s2], $0x80  }
0x44: {  	s1 =	simm.s32 @!p0 $0x3  }
0x45: {  	_ =	swait.ge @!p0 [sflag:s1], $0x80  }
0x46: {  	s12 =	sld [smem:$0x7FD];
	_ =	sdelay $0x2  }
0x47: {  	s16 =	rddreg [dreg:$0x1b];
	s4 =	sadd.s32 $0x1, s12  }
0x48: {  	p1 =	sne.s32 s4, s16  }
.Ltmp1:
0x49: {  	_ = 	snop;
	(pc) =	sbr.rel @!p1 .LBB2_7-.Ltmp1, $3  }
0x4a: {  	_ =	sdelay $0x1  }
0x4b: {  	[sflag:s1] =	ssyncset.done @!p0 $0x0  }
0x4c: {  	[sflag:s1] =	ssyncadd.s32 @!p0 $0xFFFFFF80  }
.LBB2_1:
0x4d: {  	[smem:$0x7FD] =	sst s4  }
0x4e: {  	s1 =	rddreg [dreg:$0x0]  }
0x4f: {  	[tilespmem:s0], [sflag:$0x3] =	stream.linear.gather [hbm4b:s1+s0], $0x2710, $0x38;
	[tilespmem:$0x1CAF0] =	vst v63  }
0x50: {  	_ =	swait.ge [sflag:s7], $0x2710  }
0x51: {  	[sflag:s7] =	ssyncset.done $0x0  }
0x52: {  	[sflag:s7] =	ssyncadd.s32 $0xFFFFD8F0  }
0x53: {  	s12 =	rddreg [dreg:$0x1]  }
0x54: {  	[tilespmem:s8], [sflag:$0x3] =	stream.linear.gather [hbm4b:s12+s0], $0x2710, $0x38;
	[tilespmem:$0x1CAF0] =	vst v63  }
0x55: {  	_ =	swait.ge [sflag:s7], $0x2710  }
0x56: {  	[sflag:s7] =	ssyncset.done $0x0  }
0x57: {  	s2 =	simm.s32 $0x4E20;
	s16 =	rddreg [dreg:$0x10];
	[sflag:s7] =	ssyncadd.s32 $0xFFFFD8F0  }
0x58: {  	[tilespmem:s2], [sflag:$0x3] =	stream.linear.gather [hbm4b:s16+s0], $0x30, $0x38;
	[tilespmem:$0x1CAF0] =	vst v63  }
0x59: {  	_ =	swait.ge [sflag:s7], $0x30  }
0x5a: {  	[sflag:s7] =	ssyncset.done $0x0  }
0x5b: {  	s1 =	simm.s32 $0x0;
	s2 =	simm.s32 $0x100;
	[sflag:s7] =	ssyncadd.s32 $0xFFFFFFD0  }
.LBB2_2:
0x5c: {  	p1 =	sne.s32 s2, $0x4F00;
	[tilespmem:s1+$0x11AE0] =	vst v2;
	s4 =	smov.u32 s2;
	s2 =	sadd.s32 $0x100, s2  }
.Ltmp2:
0x5d: {  	[tilespmem:s1+$0x11AD0] =	vst v2;
	(pc) =	sbr.rel @p1 .LBB2_2-.Ltmp2, $3  }
0x5e: {  	[tilespmem:s1+$0x11AB0] =	vst v2  }
0x5f: {  	[tilespmem:s1+$0x11AC0] =	vst v2;
	_ =	sdelay $0x1  }
0x60: {  	s1 =	sshra.s32 s4, $0x2  }
0x61: {  	[tilespmem:s1+$0x11AE0] =	vst v2  }
0x62: {  	[tilespmem:s1+$0x11AD0] =	vst v2  }
0x63: {  	[tilespmem:s1+$0x11AB0] =	vst v2  }
0x64: {  	[tilespmem:s1+$0x11AC0] =	vst v2;
	s4 =	rddreg [dreg:$0x11];
	s2 =	simm.s32 $0x11AB0  }
0x65: {  	[spmem:s4] =	stream.linear.scatter [tilespmem:s2], [sflag:$0x3], $0x1400, $0x38;
	[tilespmem:$0x1CAF0] =	vst v63  }
0x66: {  	_ =	swait.ge [sflag:s7], $0x1400  }
0x67: {  	[sflag:s7] =	ssyncset.done $0x0  }
0x68: {  	s9 =	rddreg [dreg:$0x12];
	[sflag:s7] =	ssyncadd.s32 $0xFFFFEC00  }
0x69: {  	[spmem:s9] =	stream.linear.scatter [tilespmem:s2], [sflag:$0x3], $0x1400, $0x38;
	[tilespmem:$0x1CAF0] =	vst v63  }
0x6a: {  	_ =	swait.ge [sflag:s7], $0x1400  }
0x6b: {  	[sflag:s7] =	ssyncset.done $0x0  }
0x6c: {  	s12 =	rddreg [dreg:$0x13];
	[sflag:s7] =	ssyncadd.s32 $0xFFFFEC00  }
0x6d: {  	[spmem:s12] =	stream.linear.scatter [tilespmem:s2], [sflag:$0x3], $0x1400, $0x38;
	[tilespmem:$0x1CAF0] =	vst v63  }
0x6e: {  	_ =	swait.ge [sflag:s7], $0x1400  }
0x6f: {  	[sflag:s7] =	ssyncset.done $0x0  }
0x70: {  	s16 =	rddreg [dreg:$0x14];
	[sflag:s7] =	ssyncadd.s32 $0xFFFFEC00  }
0x71: {  	[spmem:s16] =	stream.linear.scatter [tilespmem:s2], [sflag:$0x3], $0x1400, $0x38;
	[tilespmem:$0x1CAF0] =	vst v63  }
0x72: {  	_ =	swait.ge [sflag:s7], $0x1400  }
0x73: {  	[sflag:s7] =	ssyncset.done $0x0  }
0x74: {  	s4 =	rddreg [dreg:$0x15];
	[sflag:s7] =	ssyncadd.s32 $0xFFFFEC00  }
0x75: {  	[spmem:s4] =	stream.linear.scatter [tilespmem:s2], [sflag:$0x3], $0x1400, $0x38;
	[tilespmem:$0x1CAF0] =	vst v63  }
0x76: {  	_ =	swait.ge [sflag:s7], $0x1400  }
0x77: {  	[sflag:s7] =	ssyncset.done $0x0  }
0x78: {  	s9 =	rddreg [dreg:$0x16];
	[sflag:s7] =	ssyncadd.s32 $0xFFFFEC00  }
0x79: {  	[spmem:s9] =	stream.linear.scatter [tilespmem:s2], [sflag:$0x3], $0x1400, $0x38;
	[tilespmem:$0x1CAF0] =	vst v63  }
0x7a: {  	_ =	swait.ge [sflag:s7], $0x1400  }
0x7b: {  	[sflag:s7] =	ssyncset.done $0x0  }
0x7c: {  	s12 =	rddreg [dreg:$0x17];
	[sflag:s7] =	ssyncadd.s32 $0xFFFFEC00  }
0x7d: {  	[spmem:s12] =	stream.linear.scatter [tilespmem:s2], [sflag:$0x3], $0x1400, $0x38;
	[tilespmem:$0x1CAF0] =	vst v63  }
0x7e: {  	_ =	swait.ge [sflag:s7], $0x1400  }
0x7f: {  	[sflag:s7] =	ssyncset.done $0x0  }
0x80: {  	s16 =	rddreg [dreg:$0x18];
	[sflag:s7] =	ssyncadd.s32 $0xFFFFEC00  }
0x81: {  	[spmem:s16] =	stream.linear.scatter [tilespmem:s2], [sflag:$0x3], $0x1000, $0x38;
	[tilespmem:$0x1CAF0] =	vst v63  }
0x82: {  	_ =	swait.ge [sflag:s7], $0x1000  }
0x83: {  	[sflag:s7] =	ssyncset.done $0x0  }
0x84: {  	s1 =	simm.s32 @!p0 $0x11AB0;
	[sflag:s7] =	ssyncadd.s32 $0xFFFFF000  }
0x85: {  	[spmem:s6] =	stream.linear.scatter @!p0 [tilespmem:s1], [sflag:$0x3], $0x400, $0x38;
	[tilespmem:$0x1CAF0] =	vst v63  }
0x86: {  	s1 =	simm.s32 @!p0 $0x3  }
0x87: {  	_ =	swait.ge @!p0 [sflag:s1], $0x400  }
0x88: {  	[sflag:s1] =	ssyncset.done @!p0 $0x0  }
0x89: {  	[sflag:s1] =	ssyncadd.s32 @!p0 $0xFFFFFC00  }
0x8a: {  	[bflag:$0x0] =	sbarrier.arrive $0xFFFF  }
0x8b: {  	s4 =	simm.s32 $0x4E50;
	s12 =	simm.s32 $0x0;
	s2 =	rddreg [dreg:$0x6]  }
0x8c: {  	[tilespmem:s4], [sflag:$0x3] =	stream.linear.gather [hbm4b:s2+s12], $0x50, $0x38;
	[tilespmem:$0x1CAF0] =	vst v63  }
0x8d: {  	_ =	swait.ge [sflag:s7], $0x50  }
0x8e: {  	[sflag:s7] =	ssyncset.done $0x0  }
0x8f: {  	s6 =	rddreg [dreg:$0x7];
	[sflag:s7] =	ssyncadd.s32 $0xFFFFFFB0  }
0x90: {  	[tilespmem:s11], [sflag:$0x3] =	stream.linear.gather [hbm4b:s6+s12], $0x50, $0x38;
	[tilespmem:$0x1CAF0] =	vst v63  }
0x91: {  	_ =	swait.ge [sflag:s7], $0x50  }
0x92: {  	[sflag:s7] =	ssyncset.done $0x0  }
0x93: {  	s16 =	simm.s32 $0x4EF0;
	s9 =	rddreg [dreg:$0x8];
	[sflag:s7] =	ssyncadd.s32 $0xFFFFFFB0  }
0x94: {  	[tilespmem:s16], [sflag:$0x3] =	stream.linear.gather [hbm4b:s9+s12], $0x50, $0x38;
	[tilespmem:$0x1CAF0] =	vst v63  }
0x95: {  	_ =	swait.ge [sflag:s7], $0x50  }
0x96: {  	[sflag:s7] =	ssyncset.done $0x0  }
0x97: {  	s4 =	rddreg [dreg:$0xe];
	[sflag:s7] =	ssyncadd.s32 $0xFFFFFFB0  }
0x98: {  	[tilespmem:s26], [sflag:$0x3] =	stream.linear.gather [hbm4b:s4+s12], $0x50, $0x38;
	[tilespmem:$0x1CAF0] =	vst v63  }
0x99: {  	_ =	swait.ge [sflag:s7], $0x50  }
0x9a: {  	[sflag:s7] =	ssyncset.done $0x0  }
0x9b: {  	s9 =	simm.s32 $0x4F90;
	s6 =	rddreg [dreg:$0xf];
	[sflag:s7] =	ssyncadd.s32 $0xFFFFFFB0  }
0x9c: {  	[tilespmem:s9], [sflag:$0x3] =	stream.linear.gather [hbm4b:s6+s12], $0x50, $0x38;
	[tilespmem:$0x1CAF0] =	vst v63  }
0x9d: {  	_ =	swait.ge [sflag:s7], $0x50  }
0x9e: {  	[sflag:s7] =	ssyncset.done $0x0  }
0x9f: {  	[sflag:s7] =	ssyncadd.s32 $0xFFFFFFB0  }
0xa0: {  	v3 =	vld [tilespmem:$0x4E50];
	_ =	sdelay $0x6  }
0xa1: {  	v5 =	vld [tilespmem:$0x4EF0]  }
0xa2: {  	v4 =	vld.idx.msk [tilespmem:v3+s8+$0x0], $0xffff  }
0xa3: {  	v6 =	vld [tilespmem:$0x4F40]  }
0xa4: {  	v8 =	vld [tilespmem:$0x4F90]  }
0xa5: {  	v7 =	vld [tilespmem:$0x4EA0];
	_ =	sdelay $0x1  }
0xa6: {  	v9 =	vld [tilespmem:$0x4E60];
	v4 =	vsub.s32 v5, v4  }
0xa7: {  	v3 =	vld.idx.msk [tilespmem:v3+s12+$0x0], $0xffff;
	v4 =	vadd.s32 $0x16E, v4  }
0xa8: {  	v6 =	vadd.s32 v0, v6;
	vm15 =	vgt.s32 v8, $0x0;
	vm0 =	vgt.s32 v4, $0x0  }
0xa9: {  	v32 =	vadd.s32 v0, v7;
	v33 =	vnsel vm15, $0x0, v8;
	[tilespmem:$0x4F40] =	vst v6;
	v4 =	vnsel vm0, $0x0, v4  }
0xaa: {  	vm14 =	vlt.s32 v5, $0x0;
	v34 =	vmin.u32 v33, $0x270F;
	[tilespmem:$0x4EA0] =	vst v32;
	v4 =	vmin.u32 v4, $0x287F  }
0xab: {  	[tilespmem:$0x4F90] =	vst v34;
	v4 =	vsel vm14, $0x16E, v4  }
0xac: {  	[tilespmem:$0x4FE0] =	vst v3;
	v3 =	vadd.s32 v1, v4  }
0xad: {  	v35 =	vld [tilespmem:$0x4F00];
	[tilespmem:$0x5030] =	vst v3  }
0xae: {  	v3 =	vld.idx.msk [tilespmem:v9+s8+$0x0], $0xffff  }
0xaf: {  	v37 =	vld [tilespmem:$0x4F50]  }
0xb0: {  	v39 =	vld [tilespmem:$0x4FA0]  }
0xb1: {  	v38 =	vld [tilespmem:$0x4EB0];
	_ =	sdelay $0x1  }
0xb2: {  	v40 =	vld [tilespmem:$0x4E70];
	v3 =	vsub.s32 v35, v3  }
0xb3: {  	v36 =	vld.idx.msk [tilespmem:v9+s12+$0x0], $0xffff;
	v3 =	vadd.s32 $0x16E, v3  }
0xb4: {  	vm6 =	vgt.s32 v39, $0x0;
	v6 =	vadd.s32 v0, v37;
	vm4 =	vgt.s32 v3, $0x0  }
0xb5: {  	v41 =	vadd.s32 v0, v38;
	v42 =	vnsel vm6, $0x0, v39;
	[tilespmem:$0x4F50] =	vst v6;
	v3 =	vnsel vm4, $0x0, v3  }
0xb6: {  	vm5 =	vlt.s32 v35, $0x0;
	v4 =	vmin.u32 v42, $0x270F;
	[tilespmem:$0x4EB0] =	vst v41;
	v3 =	vmin.u32 v3, $0x287F  }
0xb7: {  	[tilespmem:$0x4FA0] =	vst v4;
	v3 =	vsel vm5, $0x16E, v3  }
0xb8: {  	[tilespmem:$0x4FF0] =	vst v36;
	v3 =	vadd.s32 v1, v3  }
0xb9: {  	v43 =	vld [tilespmem:$0x4F10];
	[tilespmem:$0x5040] =	vst v3  }
0xba: {  	v3 =	vld.idx.msk [tilespmem:v40+s8+$0x0], $0xffff  }
0xbb: {  	v44 =	vld [tilespmem:$0x4F60]  }
0xbc: {  	v46 =	vld [tilespmem:$0x4FB0]  }
0xbd: {  	v45 =	vld [tilespmem:$0x4EC0];
	_ =	sdelay $0x1  }
0xbe: {  	v47 =	vld [tilespmem:$0x4E80];
	v3 =	vsub.s32 v43, v3  }
0xbf: {  	v5 =	vld.idx.msk [tilespmem:v40+s12+$0x0], $0xffff;
	v3 =	vadd.s32 $0x16E, v3  }
0xc0: {  	vm9 =	vgt.s32 v46, $0x0;
	v6 =	vadd.s32 v0, v44;
	vm7 =	vgt.s32 v3, $0x0  }
0xc1: {  	v48 =	vadd.s32 v0, v45;
	v49 =	vnsel vm9, $0x0, v46;
	[tilespmem:$0x4F60] =	vst v6;
	v3 =	vnsel vm7, $0x0, v3  }
0xc2: {  	vm8 =	vlt.s32 v43, $0x0;
	v4 =	vmin.u32 v49, $0x270F;
	[tilespmem:$0x4EC0] =	vst v48;
	v3 =	vmin.u32 v3, $0x287F  }
0xc3: {  	[tilespmem:$0x4FB0] =	vst v4;
	v3 =	vsel vm8, $0x16E, v3  }
0xc4: {  	[tilespmem:$0x5000] =	vst v5;
	v3 =	vadd.s32 v1, v3  }
0xc5: {  	v50 =	vld [tilespmem:$0x4F20];
	[tilespmem:$0x5050] =	vst v3  }
0xc6: {  	v3 =	vld.idx.msk [tilespmem:v47+s8+$0x0], $0xffff  }
0xc7: {  	v51 =	vld [tilespmem:$0x4F70]  }
0xc8: {  	v53 =	vld [tilespmem:$0x4FC0]  }
0xc9: {  	v52 =	vld [tilespmem:$0x4ED0];
	_ =	sdelay $0x1  }
0xca: {  	v54 =	vld [tilespmem:$0x4E90];
	v3 =	vsub.s32 v50, v3  }
0xcb: {  	v5 =	vld.idx.msk [tilespmem:v47+s12+$0x0], $0xffff;
	v3 =	vadd.s32 $0x16E, v3  }
0xcc: {  	vm12 =	vgt.s32 v53, $0x0;
	v6 =	vadd.s32 v0, v51;
	vm10 =	vgt.s32 v3, $0x0  }
0xcd: {  	v55 =	vadd.s32 v0, v52;
	v56 =	vnsel vm12, $0x0, v53;
	[tilespmem:$0x4F70] =	vst v6;
	v3 =	vnsel vm10, $0x0, v3  }
0xce: {  	vm11 =	vlt.s32 v50, $0x0;
	v4 =	vmin.u32 v56, $0x270F;
	[tilespmem:$0x4ED0] =	vst v55;
	v3 =	vmin.u32 v3, $0x287F  }
0xcf: {  	[tilespmem:$0x4FC0] =	vst v4;
	v3 =	vsel vm11, $0x16E, v3  }
0xd0: {  	[tilespmem:$0x5010] =	vst v5;
	v3 =	vadd.s32 v1, v3  }
0xd1: {  	v57 =	vld [tilespmem:$0x4F30];
	[tilespmem:$0x5060] =	vst v3  }
0xd2: {  	v3 =	vld.idx.msk [tilespmem:v54+s8+$0x0], $0xffff  }
0xd3: {  	v58 =	vld [tilespmem:$0x4F80]  }
0xd4: {  	v60 =	vld [tilespmem:$0x4FD0]  }
0xd5: {  	v59 =	vld [tilespmem:$0x4EE0];
	_ =	sdelay $0x1  }
0xd6: {  	v3 =	vsub.s32 v57, v3  }
0xd7: {  	v61 =	vld.idx.msk [tilespmem:v54+s12+$0x0], $0xffff;
	v3 =	vadd.s32 $0x16E, v3  }
0xd8: {  	vm15 =	vgt.s32 v60, $0x0;
	v5 =	vadd.s32 v0, v58;
	vm13 =	vgt.s32 v3, $0x0  }
0xd9: {  	v62 =	vadd.s32 v0, v59;
	v63 =	vnsel vm15, $0x0, v60;
	[tilespmem:$0x4F80] =	vst v5;
	v3 =	vnsel vm13, $0x0, v3  }
0xda: {  	vm14 =	vlt.s32 v57, $0x0;
	v4 =	vmin.u32 v63, $0x270F;
	[tilespmem:$0x4EE0] =	vst v62;
	v3 =	vmin.u32 v3, $0x287F  }
0xdb: {  	[tilespmem:$0x4FD0] =	vst v4;
	v3 =	vsel vm14, $0x16E, v3  }
0xdc: {  	[tilespmem:$0x5020] =	vst v61;
	v3 =	vadd.s32 v1, v3  }
0xdd: {  	s16 =	simm.s32 $0x5080;
	[tilespmem:$0x5070] =	vst v3  }
0xde: {  	[tilespmem:s16], [sflag:$0x1] =	stream.indirect.gather [hbm4b:s21+s29], $0x60, s26, s29, $0xb8;
	[tilespmem:$0x1CAF0] =	vst v63  }
0xdf: {  	s2 =	simm.s32 $0x6E80  }
0xe0: {  	[tilespmem:s2], [sflag:$0x1] =	stream.indirect.gather [hbm4b:s22+s29], $0x60, s11, s29, $0xb8;
	[tilespmem:$0x1CAF0] =	vst v63  }
0xe1: {  	s4 =	simm.s32 $0x5030;
	s6 =	simm.s32 $0x8C80  }
0xe2: {  	[tilespmem:s6], [sflag:$0x1] =	stream.indirect.gather [hbm4b:s23+s29], $0x60, s4, s29, $0xb8;
	[tilespmem:$0x1CAF0] =	vst v63  }
0xe3: {  	s9 =	simm.s32 $0x4FE0;
	s16 =	simm.s32 $0xAA80  }
0xe4: {  	[tilespmem:s16], [sflag:$0x1] =	stream.indirect.gather [hbm4b:s24+s29], $0x20, s9, s29, $0xb8;
	[tilespmem:$0x1CAF0] =	vst v63  }
.LBB2_4:
0xe5: {  	_ =	swait.ge [sflag:s3], $0x1E00  }
0xe6: {  	[sflag:s3] =	ssyncset.done $0x0  }
0xe7: {  	[sflag:s3] =	ssyncadd.s32 $0xFFFFE200  }
0xe8: {  	_ =	swait.ge [sflag:s3], $0x1E00  }
0xe9: {  	[sflag:s3] =	ssyncset.done $0x0  }
0xea: {  	[sflag:s3] =	ssyncadd.s32 $0xFFFFE200  }
0xeb: {  	_ =	swait.ge [sflag:s3], $0x1E00  }
0xec: {  	[sflag:s3] =	ssyncset.done $0x0  }
0xed: {  	[sflag:s3] =	ssyncadd.s32 $0xFFFFE200  }
0xee: {  	_ =	swait.ge [sflag:s3], $0xA00  }
0xef: {  	s1 =	sadd.s32 s12, s19;
	[sflag:s3] =	ssyncset.done $0x0  }
0xf0: {  	s4 =	simm.s32 $0xB480;
	s2 =	sadd.s32 $0xA, s1;
	[sflag:s3] =	ssyncadd.s32 $0xFFFFF600  }
0xf1: {  	[tilespmem:s4], [sflag:$0x3] =	stream.linear.gather [hbm4b:s2+s0], $0x50, $0x38;
	[tilespmem:$0x1CAF0] =	vst v63  }
0xf2: {  	_ =	swait.ge [sflag:s7], $0x50  }
0xf3: {  	s2 =	sadd.s32 s12, s18;
	[sflag:s7] =	ssyncset.done $0x0  }
0xf4: {  	s16 =	sadd.s32 $0xA, s2;
	[sflag:s7] =	ssyncadd.s32 $0xFFFFFFB0  }
0xf5: {  	[tilespmem:s5], [sflag:$0x3] =	stream.linear.gather [hbm4b:s16+s0], $0x50, $0x38;
	[tilespmem:$0x1CAF0] =	vst v63  }
0xf6: {  	_ =	swait.ge [sflag:s7], $0x50  }
0xf7: {  	s4 =	sadd.s32 s12, s17;
	[sflag:s7] =	ssyncset.done $0x0  }
0xf8: {  	s9 =	simm.s32 $0xB520;
	s6 =	sadd.s32 $0xA, s4;
	[sflag:s7] =	ssyncadd.s32 $0xFFFFFFB0  }
0xf9: {  	[tilespmem:s9], [sflag:$0x3] =	stream.linear.gather [hbm4b:s6+s0], $0x50, $0x38;
	[tilespmem:$0x1CAF0] =	vst v63  }
0xfa: {  	_ =	swait.ge [sflag:s7], $0x50  }
0xfb: {  	s6 =	sadd.s32 s12, s14;
	[sflag:s7] =	ssyncset.done $0x0  }
0xfc: {  	s16 =	sadd.s32 $0xA, s6;
	[sflag:s7] =	ssyncadd.s32 $0xFFFFFFB0  }
0xfd: {  	[tilespmem:s25], [sflag:$0x3] =	stream.linear.gather [hbm4b:s16+s0], $0x50, $0x38;
	[tilespmem:$0x1CAF0] =	vst v63  }
0xfe: {  	_ =	swait.ge [sflag:s7], $0x50  }
0xff: {  	s16 =	sadd.s32 s12, s13;
	[sflag:s7] =	ssyncset.done $0x0  }
0x100: {  	s9 =	sadd.s32 $0xA, s16;
	[sflag:s7] =	ssyncadd.s32 $0xFFFFFFB0  }
0x101: {  	[tilespmem:s10], [sflag:$0x3] =	stream.linear.gather [hbm4b:s9+s0], $0x50, $0x38;
	[tilespmem:$0x1CAF0] =	vst v63  }
0x102: {  	_ =	swait.ge [sflag:s7], $0x50  }
0x103: {  	[sflag:s7] =	ssyncset.done $0x0  }
0x104: {  	[sflag:s7] =	ssyncadd.s32 $0xFFFFFFB0  }
0x105: {  	v3 =	vld [tilespmem:$0xB480];
	_ =	sdelay $0x6  }
0x106: {  	v5 =	vld [tilespmem:$0xB520]  }
0x107: {  	v4 =	vld.idx.msk [tilespmem:v3+s8+$0x0], $0xffff  }
0x108: {  	v6 =	vld [tilespmem:$0xB570]  }
0x109: {  	v8 =	vld [tilespmem:$0xB5C0]  }
0x10a: {  	v7 =	vld [tilespmem:$0xB4D0];
	_ =	sdelay $0x1  }
0x10b: {  	v9 =	vld [tilespmem:$0xB490];
	v4 =	vsub.s32 v5, v4  }
0x10c: {  	v3 =	vld.idx.msk [tilespmem:v3+s0+$0x0], $0xffff;
	v4 =	vadd.s32 $0x16E, v4  }
0x10d: {  	v6 =	vadd.s32 v0, v6;
	vm15 =	vgt.s32 v8, $0x0;
	vm0 =	vgt.s32 v4, $0x0  }
0x10e: {  	v32 =	vadd.s32 v0, v7;
	v33 =	vnsel vm15, $0x0, v8;
	[tilespmem:$0xB570] =	vst v6;
	v4 =	vnsel vm0, $0x0, v4  }
0x10f: {  	vm14 =	vlt.s32 v5, $0x0;
	v34 =	vmin.u32 v33, $0x270F;
	[tilespmem:$0xB4D0] =	vst v32;
	v4 =	vmin.u32 v4, $0x287F  }
0x110: {  	[tilespmem:$0xB5C0] =	vst v34;
	v4 =	vsel vm14, $0x16E, v4  }
0x111: {  	[tilespmem:$0xB610] =	vst v3;
	v3 =	vadd.s32 v1, v4  }
0x112: {  	v35 =	vld [tilespmem:$0xB530];
	[tilespmem:$0xB660] =	vst v3  }
0x113: {  	v3 =	vld.idx.msk [tilespmem:v9+s8+$0x0], $0xffff  }
0x114: {  	v37 =	vld [tilespmem:$0xB580]  }
0x115: {  	v39 =	vld [tilespmem:$0xB5D0]  }
0x116: {  	v38 =	vld [tilespmem:$0xB4E0];
	_ =	sdelay $0x1  }
0x117: {  	v40 =	vld [tilespmem:$0xB4A0];
	v3 =	vsub.s32 v35, v3  }
0x118: {  	v36 =	vld.idx.msk [tilespmem:v9+s0+$0x0], $0xffff;
	v3 =	vadd.s32 $0x16E, v3  }
0x119: {  	vm6 =	vgt.s32 v39, $0x0;
	v6 =	vadd.s32 v0, v37;
	vm4 =	vgt.s32 v3, $0x0  }
0x11a: {  	v41 =	vadd.s32 v0, v38;
	v42 =	vnsel vm6, $0x0, v39;
	[tilespmem:$0xB580] =	vst v6;
	v3 =	vnsel vm4, $0x0, v3  }
0x11b: {  	vm5 =	vlt.s32 v35, $0x0;
	v4 =	vmin.u32 v42, $0x270F;
	[tilespmem:$0xB4E0] =	vst v41;
	v3 =	vmin.u32 v3, $0x287F  }
0x11c: {  	[tilespmem:$0xB5D0] =	vst v4;
	v3 =	vsel vm5, $0x16E, v3  }
0x11d: {  	[tilespmem:$0xB620] =	vst v36;
	v3 =	vadd.s32 v1, v3  }
0x11e: {  	v43 =	vld [tilespmem:$0xB540];
	[tilespmem:$0xB670] =	vst v3  }
0x11f: {  	v3 =	vld.idx.msk [tilespmem:v40+s8+$0x0], $0xffff  }
0x120: {  	v44 =	vld [tilespmem:$0xB590]  }
0x121: {  	v46 =	vld [tilespmem:$0xB5E0]  }
0x122: {  	v45 =	vld [tilespmem:$0xB4F0];
	_ =	sdelay $0x1  }
0x123: {  	v47 =	vld [tilespmem:$0xB4B0];
	v3 =	vsub.s32 v43, v3  }
0x124: {  	v5 =	vld.idx.msk [tilespmem:v40+s0+$0x0], $0xffff;
	v3 =	vadd.s32 $0x16E, v3  }
0x125: {  	vm9 =	vgt.s32 v46, $0x0;
	v6 =	vadd.s32 v0, v44;
	vm7 =	vgt.s32 v3, $0x0  }
0x126: {  	v48 =	vadd.s32 v0, v45;
	v49 =	vnsel vm9, $0x0, v46;
	[tilespmem:$0xB590] =	vst v6;
	v3 =	vnsel vm7, $0x0, v3  }
0x127: {  	vm8 =	vlt.s32 v43, $0x0;
	v4 =	vmin.u32 v49, $0x270F;
	[tilespmem:$0xB4F0] =	vst v48;
	v3 =	vmin.u32 v3, $0x287F  }
0x128: {  	[tilespmem:$0xB5E0] =	vst v4;
	v3 =	vsel vm8, $0x16E, v3  }
0x129: {  	[tilespmem:$0xB630] =	vst v5;
	v3 =	vadd.s32 v1, v3  }
0x12a: {  	v50 =	vld [tilespmem:$0xB550];
	[tilespmem:$0xB680] =	vst v3  }
0x12b: {  	v3 =	vld.idx.msk [tilespmem:v47+s8+$0x0], $0xffff  }
0x12c: {  	v51 =	vld [tilespmem:$0xB5A0]  }
0x12d: {  	v53 =	vld [tilespmem:$0xB5F0]  }
0x12e: {  	v52 =	vld [tilespmem:$0xB500];
	_ =	sdelay $0x1  }
0x12f: {  	v54 =	vld [tilespmem:$0xB4C0];
	v3 =	vsub.s32 v50, v3  }
0x130: {  	v5 =	vld.idx.msk [tilespmem:v47+s0+$0x0], $0xffff;
	v3 =	vadd.s32 $0x16E, v3  }
0x131: {  	vm12 =	vgt.s32 v53, $0x0;
	v6 =	vadd.s32 v0, v51;
	vm10 =	vgt.s32 v3, $0x0  }
0x132: {  	v55 =	vadd.s32 v0, v52;
	v56 =	vnsel vm12, $0x0, v53;
	[tilespmem:$0xB5A0] =	vst v6;
	v3 =	vnsel vm10, $0x0, v3  }
0x133: {  	vm11 =	vlt.s32 v50, $0x0;
	v4 =	vmin.u32 v56, $0x270F;
	[tilespmem:$0xB500] =	vst v55;
	v3 =	vmin.u32 v3, $0x287F  }
0x134: {  	[tilespmem:$0xB5F0] =	vst v4;
	v3 =	vsel vm11, $0x16E, v3  }
0x135: {  	[tilespmem:$0xB640] =	vst v5;
	v3 =	vadd.s32 v1, v3  }
0x136: {  	v57 =	vld [tilespmem:$0xB560];
	[tilespmem:$0xB690] =	vst v3  }
0x137: {  	v3 =	vld.idx.msk [tilespmem:v54+s8+$0x0], $0xffff  }
0x138: {  	v58 =	vld [tilespmem:$0xB5B0]  }
0x139: {  	v60 =	vld [tilespmem:$0xB600]  }
0x13a: {  	v59 =	vld [tilespmem:$0xB510];
	_ =	sdelay $0x1  }
0x13b: {  	v3 =	vsub.s32 v57, v3  }
0x13c: {  	v61 =	vld.idx.msk [tilespmem:v54+s0+$0x0], $0xffff;
	v3 =	vadd.s32 $0x16E, v3  }
0x13d: {  	vm15 =	vgt.s32 v60, $0x0;
	v5 =	vadd.s32 v0, v58;
	vm13 =	vgt.s32 v3, $0x0  }
0x13e: {  	v62 =	vadd.s32 v0, v59;
	v63 =	vnsel vm15, $0x0, v60;
	[tilespmem:$0xB5B0] =	vst v5;
	v3 =	vnsel vm13, $0x0, v3  }
0x13f: {  	vm14 =	vlt.s32 v57, $0x0;
	v4 =	vmin.u32 v63, $0x270F;
	[tilespmem:$0xB510] =	vst v62;
	v3 =	vmin.u32 v3, $0x287F  }
0x140: {  	[tilespmem:$0xB600] =	vst v4;
	v3 =	vsel vm14, $0x16E, v3  }
0x141: {  	[tilespmem:$0xB650] =	vst v61;
	v3 =	vadd.s32 v1, v3  }
0x142: {  	s9 =	simm.s32 $0xB6B0;
	[tilespmem:$0xB6A0] =	vst v3  }
0x143: {  	[tilespmem:s9], [sflag:$0x2] =	stream.indirect.gather [hbm4b:s21+s29], $0x60, s25, s29, $0xb8;
	[tilespmem:$0x1CAF0] =	vst v63  }
0x144: {  	s9 =	simm.s32 $0xD4B0  }
0x145: {  	[tilespmem:s9], [sflag:$0x2] =	stream.indirect.gather [hbm4b:s22+s29], $0x60, s5, s29, $0xb8;
	[tilespmem:$0x1CAF0] =	vst v63  }
0x146: {  	_ = 	snop  }
0x147: {  	[tilespmem:s28], [sflag:$0x2] =	stream.indirect.gather [hbm4b:s23+s29], $0x60, s20, s29, $0xb8;
	[tilespmem:$0x1CAF0] =	vst v63  }
0x148: {  	_ = 	snop  }
0x149: {  	[tilespmem:s31], [sflag:$0x2] =	stream.indirect.gather [hbm4b:s24+s29], $0x20, s30, s29, $0xb8;
	[tilespmem:$0x1CAF0] =	vst v63  }
0x14a: {  	_ =	swait.ge [sflag:s15], $0x1E00  }
0x14b: {  	[sflag:s15] =	ssyncset.done $0x0  }
0x14c: {  	[sflag:s15] =	ssyncadd.s32 $0xFFFFE200  }
0x14d: {  	_ =	swait.ge [sflag:s15], $0x1E00  }
0x14e: {  	[sflag:s15] =	ssyncset.done $0x0  }
0x14f: {  	[sflag:s15] =	ssyncadd.s32 $0xFFFFE200  }
0x150: {  	p1 =	seq.s32 s12, $0x9B0;
	_ =	swait.ge [sflag:s15], $0x1E00  }
.Ltmp3:
0x151: {  	[sflag:s15] =	ssyncset.done $0x0;
	(pc) =	sbr.rel @p1 .LBB2_6-.Ltmp3, $4  }
0x152: {  	[sflag:s15] =	ssyncadd.s32 $0xFFFFE200  }
0x153: {  	_ =	swait.ge [sflag:s15], $0xA00  }
0x154: {  	[sflag:s15] =	ssyncset.done $0x0  }
0x155: {  	[sflag:s15] =	ssyncadd.s32 $0xFFFFF600  }
0x156: {  	s1 =	sadd.s32 $0x14, s1;
	s9 =	simm.s32 $0x4E50  }
0x157: {  	[tilespmem:s9], [sflag:$0x3] =	stream.linear.gather [hbm4b:s1+s0], $0x50, $0x38;
	[tilespmem:$0x1CAF0] =	vst v63  }
0x158: {  	_ =	swait.ge [sflag:s7], $0x50  }
0x159: {  	[sflag:s7] =	ssyncset.done $0x0  }
0x15a: {  	s2 =	sadd.s32 $0x14, s2;
	[sflag:s7] =	ssyncadd.s32 $0xFFFFFFB0  }
0x15b: {  	[tilespmem:s11], [sflag:$0x3] =	stream.linear.gather [hbm4b:s2+s0], $0x50, $0x38;
	[tilespmem:$0x1CAF0] =	vst v63  }
0x15c: {  	_ =	swait.ge [sflag:s7], $0x50  }
0x15d: {  	[sflag:s7] =	ssyncset.done $0x0  }
0x15e: {  	s4 =	sadd.s32 $0x14, s4;
	s9 =	simm.s32 $0x4EF0;
	[sflag:s7] =	ssyncadd.s32 $0xFFFFFFB0  }
0x15f: {  	[tilespmem:s9], [sflag:$0x3] =	stream.linear.gather [hbm4b:s4+s0], $0x50, $0x38;
	[tilespmem:$0x1CAF0] =	vst v63  }
0x160: {  	_ =	swait.ge [sflag:s7], $0x50  }
0x161: {  	[sflag:s7] =	ssyncset.done $0x0  }
0x162: {  	s4 =	sadd.s32 $0x14, s6;
	[sflag:s7] =	ssyncadd.s32 $0xFFFFFFB0  }
0x163: {  	[tilespmem:s26], [sflag:$0x3] =	stream.linear.gather [hbm4b:s4+s0], $0x50, $0x38;
	[tilespmem:$0x1CAF0] =	vst v63  }
0x164: {  	_ =	swait.ge [sflag:s7], $0x50  }
0x165: {  	[sflag:s7] =	ssyncset.done $0x0  }
0x166: {  	s6 =	sadd.s32 $0x14, s16;
	s9 =	simm.s32 $0x4F90;
	[sflag:s7] =	ssyncadd.s32 $0xFFFFFFB0  }
0x167: {  	[tilespmem:s9], [sflag:$0x3] =	stream.linear.gather [hbm4b:s6+s0], $0x50, $0x38;
	[tilespmem:$0x1CAF0] =	vst v63  }
0x168: {  	_ =	swait.ge [sflag:s7], $0x50  }
0x169: {  	[sflag:s7] =	ssyncset.done $0x0  }
0x16a: {  	[sflag:s7] =	ssyncadd.s32 $0xFFFFFFB0  }
0x16b: {  	v3 =	vld [tilespmem:$0x4E50];
	_ =	sdelay $0x6  }
0x16c: {  	v5 =	vld [tilespmem:$0x4EF0]  }
0x16d: {  	v4 =	vld.idx.msk [tilespmem:v3+s8+$0x0], $0xffff  }
0x16e: {  	v6 =	vld [tilespmem:$0x4F40]  }
0x16f: {  	v8 =	vld [tilespmem:$0x4F90]  }
0x170: {  	v7 =	vld [tilespmem:$0x4EA0];
	_ =	sdelay $0x1  }
0x171: {  	v9 =	vld [tilespmem:$0x4E60];
	v4 =	vsub.s32 v5, v4  }
0x172: {  	v3 =	vld.idx.msk [tilespmem:v3+s0+$0x0], $0xffff;
	v4 =	vadd.s32 $0x16E, v4  }
0x173: {  	v6 =	vadd.s32 v0, v6;
	vm15 =	vgt.s32 v8, $0x0;
	vm0 =	vgt.s32 v4, $0x0  }
0x174: {  	v32 =	vadd.s32 v0, v7;
	v33 =	vnsel vm15, $0x0, v8;
	[tilespmem:$0x4F40] =	vst v6;
	v4 =	vnsel vm0, $0x0, v4  }
0x175: {  	vm14 =	vlt.s32 v5, $0x0;
	v34 =	vmin.u32 v33, $0x270F;
	[tilespmem:$0x4EA0] =	vst v32;
	v4 =	vmin.u32 v4, $0x287F  }
0x176: {  	[tilespmem:$0x4F90] =	vst v34;
	v4 =	vsel vm14, $0x16E, v4  }
0x177: {  	[tilespmem:$0x4FE0] =	vst v3;
	v3 =	vadd.s32 v1, v4  }
0x178: {  	v35 =	vld [tilespmem:$0x4F00];
	[tilespmem:$0x5030] =	vst v3  }
0x179: {  	v3 =	vld.idx.msk [tilespmem:v9+s8+$0x0], $0xffff  }
0x17a: {  	v37 =	vld [tilespmem:$0x4F50]  }
0x17b: {  	v39 =	vld [tilespmem:$0x4FA0]  }
0x17c: {  	v38 =	vld [tilespmem:$0x4EB0];
	_ =	sdelay $0x1  }
0x17d: {  	v40 =	vld [tilespmem:$0x4E70];
	v3 =	vsub.s32 v35, v3  }
0x17e: {  	v36 =	vld.idx.msk [tilespmem:v9+s0+$0x0], $0xffff;
	v3 =	vadd.s32 $0x16E, v3  }
0x17f: {  	vm6 =	vgt.s32 v39, $0x0;
	v6 =	vadd.s32 v0, v37;
	vm4 =	vgt.s32 v3, $0x0  }
0x180: {  	v41 =	vadd.s32 v0, v38;
	v42 =	vnsel vm6, $0x0, v39;
	[tilespmem:$0x4F50] =	vst v6;
	v3 =	vnsel vm4, $0x0, v3  }
0x181: {  	vm5 =	vlt.s32 v35, $0x0;
	v4 =	vmin.u32 v42, $0x270F;
	[tilespmem:$0x4EB0] =	vst v41;
	v3 =	vmin.u32 v3, $0x287F  }
0x182: {  	[tilespmem:$0x4FA0] =	vst v4;
	v3 =	vsel vm5, $0x16E, v3  }
0x183: {  	[tilespmem:$0x4FF0] =	vst v36;
	v3 =	vadd.s32 v1, v3  }
0x184: {  	v43 =	vld [tilespmem:$0x4F10];
	[tilespmem:$0x5040] =	vst v3  }
0x185: {  	v3 =	vld.idx.msk [tilespmem:v40+s8+$0x0], $0xffff  }
0x186: {  	v44 =	vld [tilespmem:$0x4F60]  }
0x187: {  	v46 =	vld [tilespmem:$0x4FB0]  }
0x188: {  	v45 =	vld [tilespmem:$0x4EC0];
	_ =	sdelay $0x1  }
0x189: {  	v47 =	vld [tilespmem:$0x4E80];
	v3 =	vsub.s32 v43, v3  }
0x18a: {  	v5 =	vld.idx.msk [tilespmem:v40+s0+$0x0], $0xffff;
	v3 =	vadd.s32 $0x16E, v3  }
0x18b: {  	vm9 =	vgt.s32 v46, $0x0;
	v6 =	vadd.s32 v0, v44;
	vm7 =	vgt.s32 v3, $0x0  }
0x18c: {  	v48 =	vadd.s32 v0, v45;
	v49 =	vnsel vm9, $0x0, v46;
	[tilespmem:$0x4F60] =	vst v6;
	v3 =	vnsel vm7, $0x0, v3  }
0x18d: {  	vm8 =	vlt.s32 v43, $0x0;
	v4 =	vmin.u32 v49, $0x270F;
	[tilespmem:$0x4EC0] =	vst v48;
	v3 =	vmin.u32 v3, $0x287F  }
0x18e: {  	[tilespmem:$0x4FB0] =	vst v4;
	v3 =	vsel vm8, $0x16E, v3  }
0x18f: {  	[tilespmem:$0x5000] =	vst v5;
	v3 =	vadd.s32 v1, v3  }
0x190: {  	v50 =	vld [tilespmem:$0x4F20];
	[tilespmem:$0x5050] =	vst v3  }
0x191: {  	v3 =	vld.idx.msk [tilespmem:v47+s8+$0x0], $0xffff  }
0x192: {  	v51 =	vld [tilespmem:$0x4F70]  }
0x193: {  	v53 =	vld [tilespmem:$0x4FC0]  }
0x194: {  	v52 =	vld [tilespmem:$0x4ED0];
	_ =	sdelay $0x1  }
0x195: {  	v54 =	vld [tilespmem:$0x4E90];
	v3 =	vsub.s32 v50, v3  }
0x196: {  	v5 =	vld.idx.msk [tilespmem:v47+s0+$0x0], $0xffff;
	v3 =	vadd.s32 $0x16E, v3  }
0x197: {  	vm12 =	vgt.s32 v53, $0x0;
	v6 =	vadd.s32 v0, v51;
	vm10 =	vgt.s32 v3, $0x0  }
0x198: {  	v55 =	vadd.s32 v0, v52;
	v56 =	vnsel vm12, $0x0, v53;
	[tilespmem:$0x4F70] =	vst v6;
	v3 =	vnsel vm10, $0x0, v3  }
0x199: {  	vm11 =	vlt.s32 v50, $0x0;
	v4 =	vmin.u32 v56, $0x270F;
	[tilespmem:$0x4ED0] =	vst v55;
	v3 =	vmin.u32 v3, $0x287F  }
0x19a: {  	[tilespmem:$0x4FC0] =	vst v4;
	v3 =	vsel vm11, $0x16E, v3  }
0x19b: {  	[tilespmem:$0x5010] =	vst v5;
	v3 =	vadd.s32 v1, v3  }
0x19c: {  	v57 =	vld [tilespmem:$0x4F30];
	[tilespmem:$0x5060] =	vst v3  }
0x19d: {  	v3 =	vld.idx.msk [tilespmem:v54+s8+$0x0], $0xffff  }
0x19e: {  	v58 =	vld [tilespmem:$0x4F80]  }
0x19f: {  	v60 =	vld [tilespmem:$0x4FD0]  }
0x1a0: {  	v59 =	vld [tilespmem:$0x4EE0];
	_ =	sdelay $0x1  }
0x1a1: {  	v3 =	vsub.s32 v57, v3  }
0x1a2: {  	v61 =	vld.idx.msk [tilespmem:v54+s0+$0x0], $0xffff;
	v3 =	vadd.s32 $0x16E, v3  }
0x1a3: {  	vm15 =	vgt.s32 v60, $0x0;
	v5 =	vadd.s32 v0, v58;
	vm13 =	vgt.s32 v3, $0x0  }
0x1a4: {  	v62 =	vadd.s32 v0, v59;
	v63 =	vnsel vm15, $0x0, v60;
	[tilespmem:$0x4F80] =	vst v5;
	v3 =	vnsel vm13, $0x0, v3  }
0x1a5: {  	vm14 =	vlt.s32 v57, $0x0;
	v4 =	vmin.u32 v63, $0x270F;
	[tilespmem:$0x4EE0] =	vst v62;
	v3 =	vmin.u32 v3, $0x287F  }
0x1a6: {  	[tilespmem:$0x4FD0] =	vst v4;
	v3 =	vsel vm14, $0x16E, v3  }
0x1a7: {  	[tilespmem:$0x5020] =	vst v61;
	v3 =	vadd.s32 v1, v3  }
0x1a8: {  	s16 =	simm.s32 $0x5080;
	[tilespmem:$0x5070] =	vst v3  }
0x1a9: {  	[tilespmem:s16], [sflag:$0x1] =	stream.indirect.gather [hbm4b:s21+s29], $0x60, s26, s29, $0xb8;
	[tilespmem:$0x1CAF0] =	vst v63  }
0x1aa: {  	s2 =	simm.s32 $0x6E80  }
0x1ab: {  	[tilespmem:s2], [sflag:$0x1] =	stream.indirect.gather [hbm4b:s22+s29], $0x60, s11, s29, $0xb8;
	[tilespmem:$0x1CAF0] =	vst v63  }
.Ltmp4:
0x1ac: {  	_ = 	snop;
	(pc) =	sbr.rel .LBB2_4-.Ltmp4, $4  }
0x1ad: {  	s4 =	simm.s32 $0x5030;
	s6 =	simm.s32 $0x8C80  }
0x1ae: {  	[tilespmem:s6], [sflag:$0x1] =	stream.indirect.gather [hbm4b:s23+s29], $0x60, s4, s29, $0xb8;
	[tilespmem:$0x1CAF0] =	vst v63  }
0x1af: {  	s12 =	sadd.s32 $0x14, s12;
	s9 =	simm.s32 $0x4FE0;
	s16 =	simm.s32 $0xAA80  }
0x1b0: {  	[tilespmem:s16], [sflag:$0x1] =	stream.indirect.gather [hbm4b:s24+s29], $0x20, s9, s29, $0xb8;
	[tilespmem:$0x1CAF0] =	vst v63  }
.LBB2_7:
0x1b1: {  	_ =	sfence.sel $0x180000  }
0x1b2: {  	[bflag:$0x0] =	sbarrier.arrive $0xFFFF  }
0x1b3: {  	_ =	strace $0x90000047  }
0x1b4: {  	s0 =	stileid.u32;
	[bflag:$0x2] =	sbarrier.arrive $0xFFFF  }
0x1b5: {  	p0 =	sne.s32 s0, $0x0;
	s0 =	rddreg [dreg:$0x5]  }
0x1b6: {  	s0 =	sadd.s32 @!p0 $0x100000, s0  }
0x1b7: {  	[sflag:s0] =	ssyncadd.tile.s32 @!p0 $0x1;
	_ =	shalt  }
.Lfunc_end2:
_tile_overlayer_lowered:
.L_overlay_start_2:
0x1b8: {  	(tag) =	ssettag $0x2  }
0x1b9: {  	s0 =	rddreg [dreg:$0x0];
	s2 =	stileid.u32  }
0x1ba: {  	s1 =	rddreg [dreg:$0x1];
	p0 =	sne.s32 s2, $0x0  }
0x1bb: {  	s3 =	rddreg [dreg:$0x2];
	[bflag:$0x3] =	sbarrier.arrive $0xFFFF;
	s2 =	simm.s32 @!p0 $0x1C03  }
0x1bc: {  	[timem:s3], [sflag:s2] =	dma.local @!p0 [hbm:s0], s1  }
0x1bd: {  	s0 =	simm.s32 @!p0 $0x3  }
0x1be: {  	_ =	swait.ge @!p0 [sflag:s0], s1  }
0x1bf: {  	s1 =	ssub.s32 @!p0 $0x0, s1;
	[sflag:s0] =	ssyncset.done @!p0 $0x0  }
0x1c0: {  	[sflag:s0] =	ssyncadd.s32 @!p0 s1  }
0x1c1: {  	[bflag:$0x3] =	sbarrier.arrive $0xFFFF  }
0x1c2: {  	_ =	shalt  }

</sc_bundles>
